<compile_context>
chip_gen: v7x
topology: tpu7x:2x2x1
jax: 0.10.2.dev20260603
libtpu: 0.0.44.dev20260713+nightly
codegen_flags: <defaults>
</compile_context>

<pallas_src>
import functools

import jax
import jax.numpy as jnp
from jax import lax
from jax.experimental import pallas as pl
from jax.experimental.pallas import tpu as pltpu
from jax.experimental.pallas import tpu_sc as plsc

VOCAB = 1000000
EMBED = 32
BATCH = 4096
LANES = 128

_INFO = plsc.get_sparse_core_info()
_NC, _NS = _INFO.num_cores, _INFO.num_subcores
_NW = _NC * _NS
_BPW = BATCH // _NW
_NBUF = 4
_TAIL = VOCAB - (VOCAB % LANES)


def _sc_gather_pair(center_words, context_words, vp, up):
  mesh = plsc.VectorSubcoreMesh(core_axis_name="c", subcore_axis_name="s")

  @functools.partial(
      pl.kernel,
      mesh=mesh,
      compiler_params=pltpu.CompilerParams(needs_layout_passes=False),
      out_type=[
          jax.ShapeDtypeStruct((EMBED, BATCH), jnp.float32),
          jax.ShapeDtypeStruct((EMBED, BATCH), jnp.float32),
      ],
      scratch_types=[
          pltpu.VMEM((_BPW,), jnp.int32),
          pltpu.VMEM((_BPW,), jnp.int32),
          pltpu.VMEM((_NBUF, EMBED, LANES), jnp.float32),
          pltpu.VMEM((_NBUF, EMBED, LANES), jnp.float32),
          pltpu.VMEM((EMBED, _BPW), jnp.float32),
          pltpu.VMEM((EMBED, _BPW), jnp.float32),
      ] + [pltpu.SemaphoreType.DMA] * (2 * _NBUF),
  )
  def gather_kernel(cw_hbm, xw_hbm, vp_hbm, up_hbm, outc_hbm, outx_hbm,
                    idxc_v, idxx_v, winc_v, winx_v,
                    colsc_v, colsx_v, *sems):
    wid = lax.axis_index("s") * _NC + lax.axis_index("c")
    base = wid * _BPW
    pltpu.sync_copy(cw_hbm.at[pl.ds(base, _BPW)], idxc_v)
    pltpu.sync_copy(xw_hbm.at[pl.ds(base, _BPW)], idxx_v)
    semsc = list(sems[:_NBUF])
    semsx = list(sems[_NBUF:])
    dvec0 = lax.iota(jnp.int32, 16)
    dvec1 = dvec0 + 16

    def read_idx(idx_v, j):
      chunk = idx_v[pl.ds((j // 16) * 16, 16)]
      return jnp.sum(jnp.where(dvec0 == lax.rem(j, 16), chunk, 0))

    def win_start(i):
      return pl.multiple_of((i // LANES) * LANES, LANES)

    def issue(j, b, idx_v, tab_hbm, win_v, sem):
      i = read_idx(idx_v, j)
      pltpu.async_copy(
          tab_hbm.at[:, pl.ds(win_start(i), LANES)], win_v.at[b], sem)

    def extract(j, b, idx_v, win_v, cols_v):
      o = lax.rem(read_idx(idx_v, j), LANES)
      bvec = jnp.full((16,), b, jnp.int32)
      ovec = jnp.full((16,), o, jnp.int32)
      jvec = jnp.full((16,), j, jnp.int32)
      w0 = plsc.load_gather(win_v, [bvec, dvec0, ovec])
      w1 = plsc.load_gather(win_v, [bvec, dvec1, ovec])
      plsc.store_scatter(cols_v, [dvec0, jvec], w0)
      plsc.store_scatter(cols_v, [dvec1, jvec], w1)

    for b in range(_NBUF):
      issue(b, b, idxc_v, vp_hbm, winc_v, semsc[b])
      issue(b, b, idxx_v, up_hbm, winx_v, semsx[b])

    def group_body(g, carry):
      for b in range(_NBUF):
        j = g * _NBUF + b
        pltpu.make_async_copy(
            vp_hbm.at[:, pl.ds(0, LANES)], winc_v.at[b], semsc[b]).wait()
        extract(j, b, idxc_v, winc_v, colsc_v)
        pltpu.make_async_copy(
            up_hbm.at[:, pl.ds(0, LANES)], winx_v.at[b], semsx[b]).wait()
        extract(j, b, idxx_v, winx_v, colsx_v)

        @pl.when(j + _NBUF < _BPW)
        def _():
          issue(j + _NBUF, b, idxc_v, vp_hbm, winc_v, semsc[b])
          issue(j + _NBUF, b, idxx_v, up_hbm, winx_v, semsx[b])

      return carry

    lax.fori_loop(0, _BPW // _NBUF, group_body, 0)
    pltpu.sync_copy(colsc_v, outc_hbm.at[:, pl.ds(base, _BPW)])
    pltpu.sync_copy(colsx_v, outx_hbm.at[:, pl.ds(base, _BPW)])

  return gather_kernel(center_words, context_words, vp, up)


_RB = 512


def _score_logsoftmax_body(c_ref, ctx_ref, o_ref):
  c = c_ref[...]
  ctx = ctx_ref[...]
  s = lax.dot_general(c, ctx, (((0,), (0,)), ((), ())),
                      preferred_element_type=jnp.float32)
  m = jnp.max(s, axis=1, keepdims=True)
  lse = jnp.log(jnp.sum(jnp.exp(s - m), axis=1, keepdims=True)) + m
  o_ref[...] = s - lse


def _tc_score_logsoftmax(center_embed_t, context_embed_t):
  return pl.pallas_call(
      _score_logsoftmax_body,
      grid=(BATCH // _RB,),
      in_specs=[
          pl.BlockSpec((EMBED, _RB), lambda i: (0, i)),
          pl.BlockSpec((EMBED, BATCH), lambda i: (0, 0)),
      ],
      out_specs=pl.BlockSpec((_RB, BATCH), lambda i: (i, 0)),
      out_shape=jax.ShapeDtypeStruct((BATCH, BATCH), jnp.float32),
  )(center_embed_t, context_embed_t)


def _fix_tail(g_t, idx, table):
  tail_rows = table[_TAIL:]
  fix = jnp.take(tail_rows, jnp.clip(idx - _TAIL, 0, VOCAB - _TAIL - 1),
                 axis=0).T
  return jnp.where((idx >= _TAIL)[None, :], fix, g_t)


@jax.jit
def kernel(center_words, context_words, embedding_v, embedding_u):
  cw = center_words.astype(jnp.int32)
  xw = context_words.astype(jnp.int32)
  cg_t, xg_t = _sc_gather_pair(
      jnp.minimum(cw, _TAIL - 1), jnp.minimum(xw, _TAIL - 1),
      embedding_v.T, embedding_u.T)
  cg_t = _fix_tail(cg_t, cw, embedding_v)
  xg_t = _fix_tail(xg_t, xw, embedding_u)
  return _tc_score_logsoftmax(cg_t, xg_t)

# --- scband reference (transcript-rebuilt; emitter-appended) ---
"""Pipeline reference for scband-skipgram-31250182046113 (READ-ONLY COPY).

The authoritative reference and input builder live on the scoring server;
editing this copy changes nothing except your own understanding.
"""

import jax, jax.numpy as jnp
import numpy as np

VOCAB = 1000000
EMBED = 32
BATCH = 4096

def setup_inputs(seed: int = 0) -> dict:
    key = jax.random.key(seed)
    k1, k2, k3, k4 = jax.random.split(key, 4)
    center_words = jax.random.randint(k1, (BATCH,), 0, VOCAB, dtype=jnp.int64 if jax.config.jax_enable_x64 else jnp.int32)
    context_words = jax.random.randint(k2, (BATCH,), 0, VOCAB, dtype=jnp.int64 if jax.config.jax_enable_x64 else jnp.int32)
    embedding_v = jax.random.normal(k3, (VOCAB, EMBED), dtype=jnp.float32)
    embedding_u = jax.random.normal(k4, (VOCAB, EMBED), dtype=jnp.float32)
    return {
        "center_words": center_words,
        "context_words": context_words,
        "embedding_v": embedding_v,
        "embedding_u": embedding_u,
    }

def reference(center_words, context_words, embedding_v, embedding_u):
    # nn.Embedding lookup -> row gather
    center_embed = jnp.take(embedding_v, center_words, axis=0)   # [B, D]
    context_embed = jnp.take(embedding_u, context_words, axis=0) # [B, D]
    scores = jnp.matmul(center_embed, context_embed.T)           # [B, B]
    log_probs = jax.nn.log_softmax(scores, axis=1)
    return log_probs

if __name__ == "__main__":
    import jax
    _d = setup_inputs()
    print(jax.jit(kernel)(*tuple(_d.values())))

</pallas_src>

<mosaic_0001>
#map = affine_map<(d0, d1) -> (0)>
#map1 = affine_map<(d0, d1) -> (0, 0)>
module attributes {stable_mosaic.version = 14 : i64} {
  func.func @gather_kernel(%arg0: i32, %arg1: i32, %arg2: memref<4096xi32, #tpu.memory_space<hbm>>, %arg3: memref<4096xi32, #tpu.memory_space<hbm>>, %arg4: memref<32x1000000xf32, #tpu.memory_space<hbm>>, %arg5: memref<32x1000000xf32, #tpu.memory_space<hbm>>, %arg6: memref<32x4096xf32, #tpu.memory_space<hbm>>, %arg7: memref<32x4096xf32, #tpu.memory_space<hbm>>, %arg8: memref<128xi32, #tpu.memory_space<vmem>>, %arg9: memref<128xi32, #tpu.memory_space<vmem>>, %arg10: memref<4x32x128xf32, #tpu.memory_space<vmem>>, %arg11: memref<4x32x128xf32, #tpu.memory_space<vmem>>, %arg12: memref<32x128xf32, #tpu.memory_space<vmem>>, %arg13: memref<32x128xf32, #tpu.memory_space<vmem>>, %arg14: memref<!tpu.dma_semaphore, #tpu.memory_space<semaphore_mem>>, %arg15: memref<!tpu.dma_semaphore, #tpu.memory_space<semaphore_mem>>, %arg16: memref<!tpu.dma_semaphore, #tpu.memory_space<semaphore_mem>>, %arg17: memref<!tpu.dma_semaphore, #tpu.memory_space<semaphore_mem>>, %arg18: memref<!tpu.dma_semaphore, #tpu.memory_space<semaphore_mem>>, %arg19: memref<!tpu.dma_semaphore, #tpu.memory_space<semaphore_mem>>, %arg20: memref<!tpu.dma_semaphore, #tpu.memory_space<semaphore_mem>>, %arg21: memref<!tpu.dma_semaphore, #tpu.memory_space<semaphore_mem>>) attributes {dimension_semantics = [#tpu.dimension_semantics<core_parallel>, #tpu.dimension_semantics<subcore_parallel>], iteration_bounds = array<i64: 2, 16>, scalar_prefetch = 0 : i64, scratch_operands = 14 : i64, tpu.core_type = #tpu.core_type<sc_vector_subcore>, window_params = [{transform_indices = #map}, {transform_indices = #map}, {transform_indices = #map1}, {transform_indices = #map1}, {transform_indices = #map1}, {transform_indices = #map1}]} {
    %mul3A = arith.constant 2 : i32
    %mul3A_0 = arith.muli %arg1, %mul3A : i32
    %add3A = arith.addi %mul3A_0, %arg0 : i32
    %mul3A_1 = arith.constant 128 : i32
    %mul3A_2 = arith.muli %add3A, %mul3A_1 : i32
    "tpu.region"() ({
      %run_scoped3A = tpu.sem_alloc : memref<!tpu.dma_semaphore, #tpu.memory_space<semaphore_mem>>
      %dma_start3A_429 = tpu.memref_slice %arg2[%mul3A_2] : memref<4096xi32, #tpu.memory_space<hbm>> -> memref<128xi32, #tpu.memory_space<hbm>>
      %dma_start3A_430 = tpu.memref_slice %arg2[%mul3A_2] : memref<4096xi32, #tpu.memory_space<hbm>> -> memref<128xi32, #tpu.memory_space<hbm>>
      tpu.enqueue_dma source(%dma_start3A_430 : memref<128xi32, #tpu.memory_space<hbm>>) target(%arg8 : memref<128xi32, #tpu.memory_space<vmem>>) target_semaphore(%run_scoped3A : memref<!tpu.dma_semaphore, #tpu.memory_space<semaphore_mem>>)
      %dma_wait3A = tpu.memref_slice %arg2[%mul3A_2] : memref<4096xi32, #tpu.memory_space<hbm>> -> memref<128xi32, #tpu.memory_space<hbm>>
      %dma_wait3A_431 = tpu.memref_slice %arg2[%mul3A_2] : memref<4096xi32, #tpu.memory_space<hbm>> -> memref<128xi32, #tpu.memory_space<hbm>>
      tpu.wait_dma2 semaphore(%run_scoped3A : memref<!tpu.dma_semaphore, #tpu.memory_space<semaphore_mem>>) src(%dma_wait3A_431 : memref<128xi32, #tpu.memory_space<hbm>>) dst(%arg8 : memref<128xi32, #tpu.memory_space<vmem>>)
      tpu.yield
    }) : () -> ()
    "tpu.region"() ({
      %run_scoped3A = tpu.sem_alloc : memref<!tpu.dma_semaphore, #tpu.memory_space<semaphore_mem>>
      %dma_start3A_429 = tpu.memref_slice %arg3[%mul3A_2] : memref<4096xi32, #tpu.memory_space<hbm>> -> memref<128xi32, #tpu.memory_space<hbm>>
      %dma_start3A_430 = tpu.memref_slice %arg3[%mul3A_2] : memref<4096xi32, #tpu.memory_space<hbm>> -> memref<128xi32, #tpu.memory_space<hbm>>
      tpu.enqueue_dma source(%dma_start3A_430 : memref<128xi32, #tpu.memory_space<hbm>>) target(%arg9 : memref<128xi32, #tpu.memory_space<vmem>>) target_semaphore(%run_scoped3A : memref<!tpu.dma_semaphore, #tpu.memory_space<semaphore_mem>>)
      %dma_wait3A = tpu.memref_slice %arg3[%mul3A_2] : memref<4096xi32, #tpu.memory_space<hbm>> -> memref<128xi32, #tpu.memory_space<hbm>>
      %dma_wait3A_431 = tpu.memref_slice %arg3[%mul3A_2] : memref<4096xi32, #tpu.memory_space<hbm>> -> memref<128xi32, #tpu.memory_space<hbm>>
      tpu.wait_dma2 semaphore(%run_scoped3A : memref<!tpu.dma_semaphore, #tpu.memory_space<semaphore_mem>>) src(%dma_wait3A_431 : memref<128xi32, #tpu.memory_space<hbm>>) dst(%arg9 : memref<128xi32, #tpu.memory_space<vmem>>)
      tpu.yield
    }) : () -> ()
    %iota3A = tpu.iota {dimensions = array<i32: 0>} : vector<16xi32>
    %add3A_3 = arith.constant 16 : i32
    %add3A_4 = vector.broadcast %add3A_3 : i32 to vector<16xi32>
    %add3A_5 = arith.addi %iota3A, %add3A_4 : vector<16xi32>
    %get3A = arith.constant 0 : index
    %get3A_6 = tpu.vector_load %arg8[%get3A] {strides = array<i32>} : memref<128xi32, #tpu.memory_space<vmem>>, vector<16xi32>,
    %rem3A = arith.constant 0 : i32
    %rem3A_7 = arith.constant 16 : i32
    %rem3A_8 = arith.remsi %rem3A, %rem3A_7 : i32
    %eq3A = vector.broadcast %rem3A_8 : i32 to vector<16xi32>
    %eq3A_9 = arith.cmpi eq, %iota3A, %eq3A : vector<16xi32>
    %jit3A = arith.constant 0 : i32
    %broadcast_in_dim3A = vector.broadcast %jit3A : i32 to vector<16xi32>
    %select_n3A = arith.select %eq3A_9, %get3A_6, %broadcast_in_dim3A : vector<16xi1>, vector<16xi32>
    %reduce_sum3A = arith.constant true
    %reduce_sum3A_10 = vector.broadcast %reduce_sum3A : i1 to vector<16xi1>
    %reduce_sum3A_11 = tpu.scan <sum>, %select_n3A masked %reduce_sum3A_10 : vector<16xi32>, vector<16xi1> -> vector<16xi32>
    %reduce_sum3A_12 = vector.extract %reduce_sum3A_11[15] : i32 from vector<16xi32>
    %jit3A_13 = arith.constant 128 : i32
    %div3A = arith.divsi %reduce_sum3A_12, %jit3A_13 : i32
    %sign3A = arith.constant 0 : i32
    %sign3A_14 = arith.cmpi sgt, %reduce_sum3A_12, %sign3A : i32
    %sign3A_15 = arith.extui %sign3A_14 : i1 to i32
    %sign3A_16 = arith.constant 0 : i32
    %sign3A_17 = arith.cmpi slt, %reduce_sum3A_12, %sign3A_16 : i32
    %sign3A_18 = arith.extui %sign3A_17 : i1 to i32
    %sign3A_19 = arith.subi %sign3A_15, %sign3A_18 : i32
    %sign3A_20 = arith.constant 0 : i32
    %sign3A_21 = arith.cmpi sgt, %jit3A_13, %sign3A_20 : i32
    %sign3A_22 = arith.extui %sign3A_21 : i1 to i32
    %sign3A_23 = arith.constant 0 : i32
    %sign3A_24 = arith.cmpi slt, %jit3A_13, %sign3A_23 : i32
    %sign3A_25 = arith.extui %sign3A_24 : i1 to i32
    %sign3A_26 = arith.subi %sign3A_22, %sign3A_25 : i32
    %ne3A = arith.cmpi ne, %sign3A_19, %sign3A_26 : i32
    %rem3A_27 = arith.remsi %reduce_sum3A_12, %jit3A_13 : i32
    %ne3A_28 = arith.constant 0 : i32
    %ne3A_29 = arith.cmpi ne, %rem3A_27, %ne3A_28 : i32
    %and3A = arith.andi %ne3A, %ne3A_29 : i1
    %sub3A = arith.constant 1 : i32
    %sub3A_30 = arith.subi %div3A, %sub3A : i32
    %select_n3A_31 = arith.select %and3A, %sub3A_30, %div3A : i32
    %mul3A_32 = arith.constant 128 : i32
    %mul3A_33 = arith.muli %select_n3A_31, %mul3A_32 : i32
    %multiple_of3A = tpu.assume_multiple %mul3A_33, 128 : i32
    %dma_start3A = arith.constant 0 : i32
    %dma_start3A_34 = arith.constant 0 : i32
    %dma_start3A_35 = arith.constant 0 : i32
    %dma_start3A_36 = tpu.memref_slice %arg10[%dma_start3A, %dma_start3A_34, %dma_start3A_35] : memref<4x32x128xf32, #tpu.memory_space<vmem>> -> memref<1x32x128xf32, #tpu.memory_space<vmem>>
    %dma_start3A_37 = tpu.memref_squeeze %dma_start3A_36 : memref<1x32x128xf32, #tpu.memory_space<vmem>> -> memref<32x128xf32, #tpu.memory_space<vmem>>
    %dma_start3A_38 = arith.constant 0 : i32
    %dma_start3A_39 = tpu.memref_slice %arg4[%dma_start3A_38, %multiple_of3A] : memref<32x1000000xf32, #tpu.memory_space<hbm>> -> memref<32x128xf32, #tpu.memory_space<hbm>>
    %dma_start3A_40 = arith.constant 0 : i32
    %dma_start3A_41 = arith.constant 0 : i32
    %dma_start3A_42 = tpu.memref_slice %arg10[%dma_start3A, %dma_start3A_40, %dma_start3A_41] : memref<4x32x128xf32, #tpu.memory_space<vmem>> -> memref<1x32x128xf32, #tpu.memory_space<vmem>>
    %dma_start3A_43 = tpu.memref_squeeze %dma_start3A_42 : memref<1x32x128xf32, #tpu.memory_space<vmem>> -> memref<32x128xf32, #tpu.memory_space<vmem>>
    %dma_start3A_44 = arith.constant 0 : i32
    %dma_start3A_45 = tpu.memref_slice %arg4[%dma_start3A_44, %multiple_of3A] : memref<32x1000000xf32, #tpu.memory_space<hbm>> -> memref<32x128xf32, #tpu.memory_space<hbm>>
    tpu.enqueue_dma source(%dma_start3A_45 : memref<32x128xf32, #tpu.memory_space<hbm>>) target(%dma_start3A_43 : memref<32x128xf32, #tpu.memory_space<vmem>>) target_semaphore(%arg14 : memref<!tpu.dma_semaphore, #tpu.memory_space<semaphore_mem>>)
    %get3A_46 = arith.constant 0 : index
    %get3A_47 = tpu.vector_load %arg9[%get3A_46] {strides = array<i32>} : memref<128xi32, #tpu.memory_space<vmem>>, vector<16xi32>,
    %rem3A_48 = arith.constant 0 : i32
    %rem3A_49 = arith.constant 16 : i32
    %rem3A_50 = arith.remsi %rem3A_48, %rem3A_49 : i32
    %eq3A_51 = vector.broadcast %rem3A_50 : i32 to vector<16xi32>
    %eq3A_52 = arith.cmpi eq, %iota3A, %eq3A_51 : vector<16xi32>
    %jit3A_53 = arith.constant 0 : i32
    %broadcast_in_dim3A_54 = vector.broadcast %jit3A_53 : i32 to vector<16xi32>
    %select_n3A_55 = arith.select %eq3A_52, %get3A_47, %broadcast_in_dim3A_54 : vector<16xi1>, vector<16xi32>
    %reduce_sum3A_56 = arith.constant true
    %reduce_sum3A_57 = vector.broadcast %reduce_sum3A_56 : i1 to vector<16xi1>
    %reduce_sum3A_58 = tpu.scan <sum>, %select_n3A_55 masked %reduce_sum3A_57 : vector<16xi32>, vector<16xi1> -> vector<16xi32>
    %reduce_sum3A_59 = vector.extract %reduce_sum3A_58[15] : i32 from vector<16xi32>
    %jit3A_60 = arith.constant 128 : i32
    %div3A_61 = arith.divsi %reduce_sum3A_59, %jit3A_60 : i32
    %sign3A_62 = arith.constant 0 : i32
    %sign3A_63 = arith.cmpi sgt, %reduce_sum3A_59, %sign3A_62 : i32
    %sign3A_64 = arith.extui %sign3A_63 : i1 to i32
    %sign3A_65 = arith.constant 0 : i32
    %sign3A_66 = arith.cmpi slt, %reduce_sum3A_59, %sign3A_65 : i32
    %sign3A_67 = arith.extui %sign3A_66 : i1 to i32
    %sign3A_68 = arith.subi %sign3A_64, %sign3A_67 : i32
    %sign3A_69 = arith.constant 0 : i32
    %sign3A_70 = arith.cmpi sgt, %jit3A_60, %sign3A_69 : i32
    %sign3A_71 = arith.extui %sign3A_70 : i1 to i32
    %sign3A_72 = arith.constant 0 : i32
    %sign3A_73 = arith.cmpi slt, %jit3A_60, %sign3A_72 : i32
    %sign3A_74 = arith.extui %sign3A_73 : i1 to i32
    %sign3A_75 = arith.subi %sign3A_71, %sign3A_74 : i32
    %ne3A_76 = arith.cmpi ne, %sign3A_68, %sign3A_75 : i32
    %rem3A_77 = arith.remsi %reduce_sum3A_59, %jit3A_60 : i32
    %ne3A_78 = arith.constant 0 : i32
    %ne3A_79 = arith.cmpi ne, %rem3A_77, %ne3A_78 : i32
    %and3A_80 = arith.andi %ne3A_76, %ne3A_79 : i1
    %sub3A_81 = arith.constant 1 : i32
    %sub3A_82 = arith.subi %div3A_61, %sub3A_81 : i32
    %select_n3A_83 = arith.select %and3A_80, %sub3A_82, %div3A_61 : i32
    %mul3A_84 = arith.constant 128 : i32
    %mul3A_85 = arith.muli %select_n3A_83, %mul3A_84 : i32
    %multiple_of3A_86 = tpu.assume_multiple %mul3A_85, 128 : i32
    %dma_start3A_87 = arith.constant 0 : i32
    %dma_start3A_88 = arith.constant 0 : i32
    %dma_start3A_89 = arith.constant 0 : i32
    %dma_start3A_90 = tpu.memref_slice %arg11[%dma_start3A_87, %dma_start3A_88, %dma_start3A_89] : memref<4x32x128xf32, #tpu.memory_space<vmem>> -> memref<1x32x128xf32, #tpu.memory_space<vmem>>
    %dma_start3A_91 = tpu.memref_squeeze %dma_start3A_90 : memref<1x32x128xf32, #tpu.memory_space<vmem>> -> memref<32x128xf32, #tpu.memory_space<vmem>>
    %dma_start3A_92 = arith.constant 0 : i32
    %dma_start3A_93 = tpu.memref_slice %arg5[%dma_start3A_92, %multiple_of3A_86] : memref<32x1000000xf32, #tpu.memory_space<hbm>> -> memref<32x128xf32, #tpu.memory_space<hbm>>
    %dma_start3A_94 = arith.constant 0 : i32
    %dma_start3A_95 = arith.constant 0 : i32
    %dma_start3A_96 = tpu.memref_slice %arg11[%dma_start3A_87, %dma_start3A_94, %dma_start3A_95] : memref<4x32x128xf32, #tpu.memory_space<vmem>> -> memref<1x32x128xf32, #tpu.memory_space<vmem>>
    %dma_start3A_97 = tpu.memref_squeeze %dma_start3A_96 : memref<1x32x128xf32, #tpu.memory_space<vmem>> -> memref<32x128xf32, #tpu.memory_space<vmem>>
    %dma_start3A_98 = arith.constant 0 : i32
    %dma_start3A_99 = tpu.memref_slice %arg5[%dma_start3A_98, %multiple_of3A_86] : memref<32x1000000xf32, #tpu.memory_space<hbm>> -> memref<32x128xf32, #tpu.memory_space<hbm>>
    tpu.enqueue_dma source(%dma_start3A_99 : memref<32x128xf32, #tpu.memory_space<hbm>>) target(%dma_start3A_97 : memref<32x128xf32, #tpu.memory_space<vmem>>) target_semaphore(%arg18 : memref<!tpu.dma_semaphore, #tpu.memory_space<semaphore_mem>>)
    %get3A_100 = arith.constant 0 : index
    %get3A_101 = tpu.vector_load %arg8[%get3A_100] {strides = array<i32>} : memref<128xi32, #tpu.memory_space<vmem>>, vector<16xi32>,
    %rem3A_102 = arith.constant 1 : i32
    %rem3A_103 = arith.constant 16 : i32
    %rem3A_104 = arith.remsi %rem3A_102, %rem3A_103 : i32
    %eq3A_105 = vector.broadcast %rem3A_104 : i32 to vector<16xi32>
    %eq3A_106 = arith.cmpi eq, %iota3A, %eq3A_105 : vector<16xi32>
    %jit3A_107 = arith.constant 0 : i32
    %broadcast_in_dim3A_108 = vector.broadcast %jit3A_107 : i32 to vector<16xi32>
    %select_n3A_109 = arith.select %eq3A_106, %get3A_101, %broadcast_in_dim3A_108 : vector<16xi1>, vector<16xi32>
    %reduce_sum3A_110 = arith.constant true
    %reduce_sum3A_111 = vector.broadcast %reduce_sum3A_110 : i1 to vector<16xi1>
    %reduce_sum3A_112 = tpu.scan <sum>, %select_n3A_109 masked %reduce_sum3A_111 : vector<16xi32>, vector<16xi1> -> vector<16xi32>
    %reduce_sum3A_113 = vector.extract %reduce_sum3A_112[15] : i32 from vector<16xi32>
    %jit3A_114 = arith.constant 128 : i32
    %div3A_115 = arith.divsi %reduce_sum3A_113, %jit3A_114 : i32
    %sign3A_116 = arith.constant 0 : i32
    %sign3A_117 = arith.cmpi sgt, %reduce_sum3A_113, %sign3A_116 : i32
    %sign3A_118 = arith.extui %sign3A_117 : i1 to i32
    %sign3A_119 = arith.constant 0 : i32
    %sign3A_120 = arith.cmpi slt, %reduce_sum3A_113, %sign3A_119 : i32
    %sign3A_121 = arith.extui %sign3A_120 : i1 to i32
    %sign3A_122 = arith.subi %sign3A_118, %sign3A_121 : i32
    %sign3A_123 = arith.constant 0 : i32
    %sign3A_124 = arith.cmpi sgt, %jit3A_114, %sign3A_123 : i32
    %sign3A_125 = arith.extui %sign3A_124 : i1 to i32
    %sign3A_126 = arith.constant 0 : i32
    %sign3A_127 = arith.cmpi slt, %jit3A_114, %sign3A_126 : i32
    %sign3A_128 = arith.extui %sign3A_127 : i1 to i32
    %sign3A_129 = arith.subi %sign3A_125, %sign3A_128 : i32
    %ne3A_130 = arith.cmpi ne, %sign3A_122, %sign3A_129 : i32
    %rem3A_131 = arith.remsi %reduce_sum3A_113, %jit3A_114 : i32
    %ne3A_132 = arith.constant 0 : i32
    %ne3A_133 = arith.cmpi ne, %rem3A_131, %ne3A_132 : i32
    %and3A_134 = arith.andi %ne3A_130, %ne3A_133 : i1
    %sub3A_135 = arith.constant 1 : i32
    %sub3A_136 = arith.subi %div3A_115, %sub3A_135 : i32
    %select_n3A_137 = arith.select %and3A_134, %sub3A_136, %div3A_115 : i32
    %mul3A_138 = arith.constant 128 : i32
    %mul3A_139 = arith.muli %select_n3A_137, %mul3A_138 : i32
    %multiple_of3A_140 = tpu.assume_multiple %mul3A_139, 128 : i32
    %dma_start3A_141 = arith.constant 1 : i32
    %dma_start3A_142 = arith.constant 0 : i32
    %dma_start3A_143 = arith.constant 0 : i32
    %dma_start3A_144 = tpu.memref_slice %arg10[%dma_start3A_141, %dma_start3A_142, %dma_start3A_143] : memref<4x32x128xf32, #tpu.memory_space<vmem>> -> memref<1x32x128xf32, #tpu.memory_space<vmem>>
    %dma_start3A_145 = tpu.memref_squeeze %dma_start3A_144 : memref<1x32x128xf32, #tpu.memory_space<vmem>> -> memref<32x128xf32, #tpu.memory_space<vmem>>
    %dma_start3A_146 = arith.constant 0 : i32
    %dma_start3A_147 = tpu.memref_slice %arg4[%dma_start3A_146, %multiple_of3A_140] : memref<32x1000000xf32, #tpu.memory_space<hbm>> -> memref<32x128xf32, #tpu.memory_space<hbm>>
    %dma_start3A_148 = arith.constant 0 : i32
    %dma_start3A_149 = arith.constant 0 : i32
    %dma_start3A_150 = tpu.memref_slice %arg10[%dma_start3A_141, %dma_start3A_148, %dma_start3A_149] : memref<4x32x128xf32, #tpu.memory_space<vmem>> -> memref<1x32x128xf32, #tpu.memory_space<vmem>>
    %dma_start3A_151 = tpu.memref_squeeze %dma_start3A_150 : memref<1x32x128xf32, #tpu.memory_space<vmem>> -> memref<32x128xf32, #tpu.memory_space<vmem>>
    %dma_start3A_152 = arith.constant 0 : i32
    %dma_start3A_153 = tpu.memref_slice %arg4[%dma_start3A_152, %multiple_of3A_140] : memref<32x1000000xf32, #tpu.memory_space<hbm>> -> memref<32x128xf32, #tpu.memory_space<hbm>>
    tpu.enqueue_dma source(%dma_start3A_153 : memref<32x128xf32, #tpu.memory_space<hbm>>) target(%dma_start3A_151 : memref<32x128xf32, #tpu.memory_space<vmem>>) target_semaphore(%arg15 : memref<!tpu.dma_semaphore, #tpu.memory_space<semaphore_mem>>)
    %get3A_154 = arith.constant 0 : index
    %get3A_155 = tpu.vector_load %arg9[%get3A_154] {strides = array<i32>} : memref<128xi32, #tpu.memory_space<vmem>>, vector<16xi32>,
    %rem3A_156 = arith.constant 1 : i32
    %rem3A_157 = arith.constant 16 : i32
    %rem3A_158 = arith.remsi %rem3A_156, %rem3A_157 : i32
    %eq3A_159 = vector.broadcast %rem3A_158 : i32 to vector<16xi32>
    %eq3A_160 = arith.cmpi eq, %iota3A, %eq3A_159 : vector<16xi32>
    %jit3A_161 = arith.constant 0 : i32
    %broadcast_in_dim3A_162 = vector.broadcast %jit3A_161 : i32 to vector<16xi32>
    %select_n3A_163 = arith.select %eq3A_160, %get3A_155, %broadcast_in_dim3A_162 : vector<16xi1>, vector<16xi32>
    %reduce_sum3A_164 = arith.constant true
    %reduce_sum3A_165 = vector.broadcast %reduce_sum3A_164 : i1 to vector<16xi1>
    %reduce_sum3A_166 = tpu.scan <sum>, %select_n3A_163 masked %reduce_sum3A_165 : vector<16xi32>, vector<16xi1> -> vector<16xi32>
    %reduce_sum3A_167 = vector.extract %reduce_sum3A_166[15] : i32 from vector<16xi32>
    %jit3A_168 = arith.constant 128 : i32
    %div3A_169 = arith.divsi %reduce_sum3A_167, %jit3A_168 : i32
    %sign3A_170 = arith.constant 0 : i32
    %sign3A_171 = arith.cmpi sgt, %reduce_sum3A_167, %sign3A_170 : i32
    %sign3A_172 = arith.extui %sign3A_171 : i1 to i32
    %sign3A_173 = arith.constant 0 : i32
    %sign3A_174 = arith.cmpi slt, %reduce_sum3A_167, %sign3A_173 : i32
    %sign3A_175 = arith.extui %sign3A_174 : i1 to i32
    %sign3A_176 = arith.subi %sign3A_172, %sign3A_175 : i32
    %sign3A_177 = arith.constant 0 : i32
    %sign3A_178 = arith.cmpi sgt, %jit3A_168, %sign3A_177 : i32
    %sign3A_179 = arith.extui %sign3A_178 : i1 to i32
    %sign3A_180 = arith.constant 0 : i32
    %sign3A_181 = arith.cmpi slt, %jit3A_168, %sign3A_180 : i32
    %sign3A_182 = arith.extui %sign3A_181 : i1 to i32
    %sign3A_183 = arith.subi %sign3A_179, %sign3A_182 : i32
    %ne3A_184 = arith.cmpi ne, %sign3A_176, %sign3A_183 : i32
    %rem3A_185 = arith.remsi %reduce_sum3A_167, %jit3A_168 : i32
    %ne3A_186 = arith.constant 0 : i32
    %ne3A_187 = arith.cmpi ne, %rem3A_185, %ne3A_186 : i32
    %and3A_188 = arith.andi %ne3A_184, %ne3A_187 : i1
    %sub3A_189 = arith.constant 1 : i32
    %sub3A_190 = arith.subi %div3A_169, %sub3A_189 : i32
    %select_n3A_191 = arith.select %and3A_188, %sub3A_190, %div3A_169 : i32
    %mul3A_192 = arith.constant 128 : i32
    %mul3A_193 = arith.muli %select_n3A_191, %mul3A_192 : i32
    %multiple_of3A_194 = tpu.assume_multiple %mul3A_193, 128 : i32
    %dma_start3A_195 = arith.constant 1 : i32
    %dma_start3A_196 = arith.constant 0 : i32
    %dma_start3A_197 = arith.constant 0 : i32
    %dma_start3A_198 = tpu.memref_slice %arg11[%dma_start3A_195, %dma_start3A_196, %dma_start3A_197] : memref<4x32x128xf32, #tpu.memory_space<vmem>> -> memref<1x32x128xf32, #tpu.memory_space<vmem>>
    %dma_start3A_199 = tpu.memref_squeeze %dma_start3A_198 : memref<1x32x128xf32, #tpu.memory_space<vmem>> -> memref<32x128xf32, #tpu.memory_space<vmem>>
    %dma_start3A_200 = arith.constant 0 : i32
    %dma_start3A_201 = tpu.memref_slice %arg5[%dma_start3A_200, %multiple_of3A_194] : memref<32x1000000xf32, #tpu.memory_space<hbm>> -> memref<32x128xf32, #tpu.memory_space<hbm>>
    %dma_start3A_202 = arith.constant 0 : i32
    %dma_start3A_203 = arith.constant 0 : i32
    %dma_start3A_204 = tpu.memref_slice %arg11[%dma_start3A_195, %dma_start3A_202, %dma_start3A_203] : memref<4x32x128xf32, #tpu.memory_space<vmem>> -> memref<1x32x128xf32, #tpu.memory_space<vmem>>
    %dma_start3A_205 = tpu.memref_squeeze %dma_start3A_204 : memref<1x32x128xf32, #tpu.memory_space<vmem>> -> memref<32x128xf32, #tpu.memory_space<vmem>>
    %dma_start3A_206 = arith.constant 0 : i32
    %dma_start3A_207 = tpu.memref_slice %arg5[%dma_start3A_206, %multiple_of3A_194] : memref<32x1000000xf32, #tpu.memory_space<hbm>> -> memref<32x128xf32, #tpu.memory_space<hbm>>
    tpu.enqueue_dma source(%dma_start3A_207 : memref<32x128xf32, #tpu.memory_space<hbm>>) target(%dma_start3A_205 : memref<32x128xf32, #tpu.memory_space<vmem>>) target_semaphore(%arg19 : memref<!tpu.dma_semaphore, #tpu.memory_space<semaphore_mem>>)
    %get3A_208 = arith.constant 0 : index
    %get3A_209 = tpu.vector_load %arg8[%get3A_208] {strides = array<i32>} : memref<128xi32, #tpu.memory_space<vmem>>, vector<16xi32>,
    %rem3A_210 = arith.constant 2 : i32
    %rem3A_211 = arith.constant 16 : i32
    %rem3A_212 = arith.remsi %rem3A_210, %rem3A_211 : i32
    %eq3A_213 = vector.broadcast %rem3A_212 : i32 to vector<16xi32>
    %eq3A_214 = arith.cmpi eq, %iota3A, %eq3A_213 : vector<16xi32>
    %jit3A_215 = arith.constant 0 : i32
    %broadcast_in_dim3A_216 = vector.broadcast %jit3A_215 : i32 to vector<16xi32>
    %select_n3A_217 = arith.select %eq3A_214, %get3A_209, %broadcast_in_dim3A_216 : vector<16xi1>, vector<16xi32>
    %reduce_sum3A_218 = arith.constant true
    %reduce_sum3A_219 = vector.broadcast %reduce_sum3A_218 : i1 to vector<16xi1>
    %reduce_sum3A_220 = tpu.scan <sum>, %select_n3A_217 masked %reduce_sum3A_219 : vector<16xi32>, vector<16xi1> -> vector<16xi32>
    %reduce_sum3A_221 = vector.extract %reduce_sum3A_220[15] : i32 from vector<16xi32>
    %jit3A_222 = arith.constant 128 : i32
    %div3A_223 = arith.divsi %reduce_sum3A_221, %jit3A_222 : i32
    %sign3A_224 = arith.constant 0 : i32
    %sign3A_225 = arith.cmpi sgt, %reduce_sum3A_221, %sign3A_224 : i32
    %sign3A_226 = arith.extui %sign3A_225 : i1 to i32
    %sign3A_227 = arith.constant 0 : i32
    %sign3A_228 = arith.cmpi slt, %reduce_sum3A_221, %sign3A_227 : i32
    %sign3A_229 = arith.extui %sign3A_228 : i1 to i32
    %sign3A_230 = arith.subi %sign3A_226, %sign3A_229 : i32
    %sign3A_231 = arith.constant 0 : i32
    %sign3A_232 = arith.cmpi sgt, %jit3A_222, %sign3A_231 : i32
    %sign3A_233 = arith.extui %sign3A_232 : i1 to i32
    %sign3A_234 = arith.constant 0 : i32
    %sign3A_235 = arith.cmpi slt, %jit3A_222, %sign3A_234 : i32
    %sign3A_236 = arith.extui %sign3A_235 : i1 to i32
    %sign3A_237 = arith.subi %sign3A_233, %sign3A_236 : i32
    %ne3A_238 = arith.cmpi ne, %sign3A_230, %sign3A_237 : i32
    %rem3A_239 = arith.remsi %reduce_sum3A_221, %jit3A_222 : i32
    %ne3A_240 = arith.constant 0 : i32
    %ne3A_241 = arith.cmpi ne, %rem3A_239, %ne3A_240 : i32
    %and3A_242 = arith.andi %ne3A_238, %ne3A_241 : i1
    %sub3A_243 = arith.constant 1 : i32
    %sub3A_244 = arith.subi %div3A_223, %sub3A_243 : i32
    %select_n3A_245 = arith.select %and3A_242, %sub3A_244, %div3A_223 : i32
    %mul3A_246 = arith.constant 128 : i32
    %mul3A_247 = arith.muli %select_n3A_245, %mul3A_246 : i32
    %multiple_of3A_248 = tpu.assume_multiple %mul3A_247, 128 : i32
    %dma_start3A_249 = arith.constant 2 : i32
    %dma_start3A_250 = arith.constant 0 : i32
    %dma_start3A_251 = arith.constant 0 : i32
    %dma_start3A_252 = tpu.memref_slice %arg10[%dma_start3A_249, %dma_start3A_250, %dma_start3A_251] : memref<4x32x128xf32, #tpu.memory_space<vmem>> -> memref<1x32x128xf32, #tpu.memory_space<vmem>>
    %dma_start3A_253 = tpu.memref_squeeze %dma_start3A_252 : memref<1x32x128xf32, #tpu.memory_space<vmem>> -> memref<32x128xf32, #tpu.memory_space<vmem>>
    %dma_start3A_254 = arith.constant 0 : i32
    %dma_start3A_255 = tpu.memref_slice %arg4[%dma_start3A_254, %multiple_of3A_248] : memref<32x1000000xf32, #tpu.memory_space<hbm>> -> memref<32x128xf32, #tpu.memory_space<hbm>>
    %dma_start3A_256 = arith.constant 0 : i32
    %dma_start3A_257 = arith.constant 0 : i32
    %dma_start3A_258 = tpu.memref_slice %arg10[%dma_start3A_249, %dma_start3A_256, %dma_start3A_257] : memref<4x32x128xf32, #tpu.memory_space<vmem>> -> memref<1x32x128xf32, #tpu.memory_space<vmem>>
    %dma_start3A_259 = tpu.memref_squeeze %dma_start3A_258 : memref<1x32x128xf32, #tpu.memory_space<vmem>> -> memref<32x128xf32, #tpu.memory_space<vmem>>
    %dma_start3A_260 = arith.constant 0 : i32
    %dma_start3A_261 = tpu.memref_slice %arg4[%dma_start3A_260, %multiple_of3A_248] : memref<32x1000000xf32, #tpu.memory_space<hbm>> -> memref<32x128xf32, #tpu.memory_space<hbm>>
    tpu.enqueue_dma source(%dma_start3A_261 : memref<32x128xf32, #tpu.memory_space<hbm>>) target(%dma_start3A_259 : memref<32x128xf32, #tpu.memory_space<vmem>>) target_semaphore(%arg16 : memref<!tpu.dma_semaphore, #tpu.memory_space<semaphore_mem>>)
    %get3A_262 = arith.constant 0 : index
    %get3A_263 = tpu.vector_load %arg9[%get3A_262] {strides = array<i32>} : memref<128xi32, #tpu.memory_space<vmem>>, vector<16xi32>,
    %rem3A_264 = arith.constant 2 : i32
    %rem3A_265 = arith.constant 16 : i32
    %rem3A_266 = arith.remsi %rem3A_264, %rem3A_265 : i32
    %eq3A_267 = vector.broadcast %rem3A_266 : i32 to vector<16xi32>
    %eq3A_268 = arith.cmpi eq, %iota3A, %eq3A_267 : vector<16xi32>
    %jit3A_269 = arith.constant 0 : i32
    %broadcast_in_dim3A_270 = vector.broadcast %jit3A_269 : i32 to vector<16xi32>
    %select_n3A_271 = arith.select %eq3A_268, %get3A_263, %broadcast_in_dim3A_270 : vector<16xi1>, vector<16xi32>
    %reduce_sum3A_272 = arith.constant true
    %reduce_sum3A_273 = vector.broadcast %reduce_sum3A_272 : i1 to vector<16xi1>
    %reduce_sum3A_274 = tpu.scan <sum>, %select_n3A_271 masked %reduce_sum3A_273 : vector<16xi32>, vector<16xi1> -> vector<16xi32>
    %reduce_sum3A_275 = vector.extract %reduce_sum3A_274[15] : i32 from vector<16xi32>
    %jit3A_276 = arith.constant 128 : i32
    %div3A_277 = arith.divsi %reduce_sum3A_275, %jit3A_276 : i32
    %sign3A_278 = arith.constant 0 : i32
    %sign3A_279 = arith.cmpi sgt, %reduce_sum3A_275, %sign3A_278 : i32
    %sign3A_280 = arith.extui %sign3A_279 : i1 to i32
    %sign3A_281 = arith.constant 0 : i32
    %sign3A_282 = arith.cmpi slt, %reduce_sum3A_275, %sign3A_281 : i32
    %sign3A_283 = arith.extui %sign3A_282 : i1 to i32
    %sign3A_284 = arith.subi %sign3A_280, %sign3A_283 : i32
    %sign3A_285 = arith.constant 0 : i32
    %sign3A_286 = arith.cmpi sgt, %jit3A_276, %sign3A_285 : i32
    %sign3A_287 = arith.extui %sign3A_286 : i1 to i32
    %sign3A_288 = arith.constant 0 : i32
    %sign3A_289 = arith.cmpi slt, %jit3A_276, %sign3A_288 : i32
    %sign3A_290 = arith.extui %sign3A_289 : i1 to i32
    %sign3A_291 = arith.subi %sign3A_287, %sign3A_290 : i32
    %ne3A_292 = arith.cmpi ne, %sign3A_284, %sign3A_291 : i32
    %rem3A_293 = arith.remsi %reduce_sum3A_275, %jit3A_276 : i32
    %ne3A_294 = arith.constant 0 : i32
    %ne3A_295 = arith.cmpi ne, %rem3A_293, %ne3A_294 : i32
    %and3A_296 = arith.andi %ne3A_292, %ne3A_295 : i1
    %sub3A_297 = arith.constant 1 : i32
    %sub3A_298 = arith.subi %div3A_277, %sub3A_297 : i32
    %select_n3A_299 = arith.select %and3A_296, %sub3A_298, %div3A_277 : i32
    %mul3A_300 = arith.constant 128 : i32
    %mul3A_301 = arith.muli %select_n3A_299, %mul3A_300 : i32
    %multiple_of3A_302 = tpu.assume_multiple %mul3A_301, 128 : i32
    %dma_start3A_303 = arith.constant 2 : i32
    %dma_start3A_304 = arith.constant 0 : i32
    %dma_start3A_305 = arith.constant 0 : i32
    %dma_start3A_306 = tpu.memref_slice %arg11[%dma_start3A_303, %dma_start3A_304, %dma_start3A_305] : memref<4x32x128xf32, #tpu.memory_space<vmem>> -> memref<1x32x128xf32, #tpu.memory_space<vmem>>
    %dma_start3A_307 = tpu.memref_squeeze %dma_start3A_306 : memref<1x32x128xf32, #tpu.memory_space<vmem>> -> memref<32x128xf32, #tpu.memory_space<vmem>>
    %dma_start3A_308 = arith.constant 0 : i32
    %dma_start3A_309 = tpu.memref_slice %arg5[%dma_start3A_308, %multiple_of3A_302] : memref<32x1000000xf32, #tpu.memory_space<hbm>> -> memref<32x128xf32, #tpu.memory_space<hbm>>
    %dma_start3A_310 = arith.constant 0 : i32
    %dma_start3A_311 = arith.constant 0 : i32
    %dma_start3A_312 = tpu.memref_slice %arg11[%dma_start3A_303, %dma_start3A_310, %dma_start3A_311] : memref<4x32x128xf32, #tpu.memory_space<vmem>> -> memref<1x32x128xf32, #tpu.memory_space<vmem>>
    %dma_start3A_313 = tpu.memref_squeeze %dma_start3A_312 : memref<1x32x128xf32, #tpu.memory_space<vmem>> -> memref<32x128xf32, #tpu.memory_space<vmem>>
    %dma_start3A_314 = arith.constant 0 : i32
    %dma_start3A_315 = tpu.memref_slice %arg5[%dma_start3A_314, %multiple_of3A_302] : memref<32x1000000xf32, #tpu.memory_space<hbm>> -> memref<32x128xf32, #tpu.memory_space<hbm>>
    tpu.enqueue_dma source(%dma_start3A_315 : memref<32x128xf32, #tpu.memory_space<hbm>>) target(%dma_start3A_313 : memref<32x128xf32, #tpu.memory_space<vmem>>) target_semaphore(%arg20 : memref<!tpu.dma_semaphore, #tpu.memory_space<semaphore_mem>>)
    %get3A_316 = arith.constant 0 : index
    %get3A_317 = tpu.vector_load %arg8[%get3A_316] {strides = array<i32>} : memref<128xi32, #tpu.memory_space<vmem>>, vector<16xi32>,
    %rem3A_318 = arith.constant 3 : i32
    %rem3A_319 = arith.constant 16 : i32
    %rem3A_320 = arith.remsi %rem3A_318, %rem3A_319 : i32
    %eq3A_321 = vector.broadcast %rem3A_320 : i32 to vector<16xi32>
    %eq3A_322 = arith.cmpi eq, %iota3A, %eq3A_321 : vector<16xi32>
    %jit3A_323 = arith.constant 0 : i32
    %broadcast_in_dim3A_324 = vector.broadcast %jit3A_323 : i32 to vector<16xi32>
    %select_n3A_325 = arith.select %eq3A_322, %get3A_317, %broadcast_in_dim3A_324 : vector<16xi1>, vector<16xi32>
    %reduce_sum3A_326 = arith.constant true
    %reduce_sum3A_327 = vector.broadcast %reduce_sum3A_326 : i1 to vector<16xi1>
    %reduce_sum3A_328 = tpu.scan <sum>, %select_n3A_325 masked %reduce_sum3A_327 : vector<16xi32>, vector<16xi1> -> vector<16xi32>
    %reduce_sum3A_329 = vector.extract %reduce_sum3A_328[15] : i32 from vector<16xi32>
    %jit3A_330 = arith.constant 128 : i32
    %div3A_331 = arith.divsi %reduce_sum3A_329, %jit3A_330 : i32
    %sign3A_332 = arith.constant 0 : i32
    %sign3A_333 = arith.cmpi sgt, %reduce_sum3A_329, %sign3A_332 : i32
    %sign3A_334 = arith.extui %sign3A_333 : i1 to i32
    %sign3A_335 = arith.constant 0 : i32
    %sign3A_336 = arith.cmpi slt, %reduce_sum3A_329, %sign3A_335 : i32
    %sign3A_337 = arith.extui %sign3A_336 : i1 to i32
    %sign3A_338 = arith.subi %sign3A_334, %sign3A_337 : i32
    %sign3A_339 = arith.constant 0 : i32
    %sign3A_340 = arith.cmpi sgt, %jit3A_330, %sign3A_339 : i32
    %sign3A_341 = arith.extui %sign3A_340 : i1 to i32
    %sign3A_342 = arith.constant 0 : i32
    %sign3A_343 = arith.cmpi slt, %jit3A_330, %sign3A_342 : i32
    %sign3A_344 = arith.extui %sign3A_343 : i1 to i32
    %sign3A_345 = arith.subi %sign3A_341, %sign3A_344 : i32
    %ne3A_346 = arith.cmpi ne, %sign3A_338, %sign3A_345 : i32
    %rem3A_347 = arith.remsi %reduce_sum3A_329, %jit3A_330 : i32
    %ne3A_348 = arith.constant 0 : i32
    %ne3A_349 = arith.cmpi ne, %rem3A_347, %ne3A_348 : i32
    %and3A_350 = arith.andi %ne3A_346, %ne3A_349 : i1
    %sub3A_351 = arith.constant 1 : i32
    %sub3A_352 = arith.subi %div3A_331, %sub3A_351 : i32
    %select_n3A_353 = arith.select %and3A_350, %sub3A_352, %div3A_331 : i32
    %mul3A_354 = arith.constant 128 : i32
    %mul3A_355 = arith.muli %select_n3A_353, %mul3A_354 : i32
    %multiple_of3A_356 = tpu.assume_multiple %mul3A_355, 128 : i32
    %dma_start3A_357 = arith.constant 3 : i32
    %dma_start3A_358 = arith.constant 0 : i32
    %dma_start3A_359 = arith.constant 0 : i32
    %dma_start3A_360 = tpu.memref_slice %arg10[%dma_start3A_357, %dma_start3A_358, %dma_start3A_359] : memref<4x32x128xf32, #tpu.memory_space<vmem>> -> memref<1x32x128xf32, #tpu.memory_space<vmem>>
    %dma_start3A_361 = tpu.memref_squeeze %dma_start3A_360 : memref<1x32x128xf32, #tpu.memory_space<vmem>> -> memref<32x128xf32, #tpu.memory_space<vmem>>
    %dma_start3A_362 = arith.constant 0 : i32
    %dma_start3A_363 = tpu.memref_slice %arg4[%dma_start3A_362, %multiple_of3A_356] : memref<32x1000000xf32, #tpu.memory_space<hbm>> -> memref<32x128xf32, #tpu.memory_space<hbm>>
    %dma_start3A_364 = arith.constant 0 : i32
    %dma_start3A_365 = arith.constant 0 : i32
    %dma_start3A_366 = tpu.memref_slice %arg10[%dma_start3A_357, %dma_start3A_364, %dma_start3A_365] : memref<4x32x128xf32, #tpu.memory_space<vmem>> -> memref<1x32x128xf32, #tpu.memory_space<vmem>>
    %dma_start3A_367 = tpu.memref_squeeze %dma_start3A_366 : memref<1x32x128xf32, #tpu.memory_space<vmem>> -> memref<32x128xf32, #tpu.memory_space<vmem>>
    %dma_start3A_368 = arith.constant 0 : i32
    %dma_start3A_369 = tpu.memref_slice %arg4[%dma_start3A_368, %multiple_of3A_356] : memref<32x1000000xf32, #tpu.memory_space<hbm>> -> memref<32x128xf32, #tpu.memory_space<hbm>>
    tpu.enqueue_dma source(%dma_start3A_369 : memref<32x128xf32, #tpu.memory_space<hbm>>) target(%dma_start3A_367 : memref<32x128xf32, #tpu.memory_space<vmem>>) target_semaphore(%arg17 : memref<!tpu.dma_semaphore, #tpu.memory_space<semaphore_mem>>)
    %get3A_370 = arith.constant 0 : index
    %get3A_371 = tpu.vector_load %arg9[%get3A_370] {strides = array<i32>} : memref<128xi32, #tpu.memory_space<vmem>>, vector<16xi32>,
    %rem3A_372 = arith.constant 3 : i32
    %rem3A_373 = arith.constant 16 : i32
    %rem3A_374 = arith.remsi %rem3A_372, %rem3A_373 : i32
    %eq3A_375 = vector.broadcast %rem3A_374 : i32 to vector<16xi32>
    %eq3A_376 = arith.cmpi eq, %iota3A, %eq3A_375 : vector<16xi32>
    %jit3A_377 = arith.constant 0 : i32
    %broadcast_in_dim3A_378 = vector.broadcast %jit3A_377 : i32 to vector<16xi32>
    %select_n3A_379 = arith.select %eq3A_376, %get3A_371, %broadcast_in_dim3A_378 : vector<16xi1>, vector<16xi32>
    %reduce_sum3A_380 = arith.constant true
    %reduce_sum3A_381 = vector.broadcast %reduce_sum3A_380 : i1 to vector<16xi1>
    %reduce_sum3A_382 = tpu.scan <sum>, %select_n3A_379 masked %reduce_sum3A_381 : vector<16xi32>, vector<16xi1> -> vector<16xi32>
    %reduce_sum3A_383 = vector.extract %reduce_sum3A_382[15] : i32 from vector<16xi32>
    %jit3A_384 = arith.constant 128 : i32
    %div3A_385 = arith.divsi %reduce_sum3A_383, %jit3A_384 : i32
    %sign3A_386 = arith.constant 0 : i32
    %sign3A_387 = arith.cmpi sgt, %reduce_sum3A_383, %sign3A_386 : i32
    %sign3A_388 = arith.extui %sign3A_387 : i1 to i32
    %sign3A_389 = arith.constant 0 : i32
    %sign3A_390 = arith.cmpi slt, %reduce_sum3A_383, %sign3A_389 : i32
    %sign3A_391 = arith.extui %sign3A_390 : i1 to i32
    %sign3A_392 = arith.subi %sign3A_388, %sign3A_391 : i32
    %sign3A_393 = arith.constant 0 : i32
    %sign3A_394 = arith.cmpi sgt, %jit3A_384, %sign3A_393 : i32
    %sign3A_395 = arith.extui %sign3A_394 : i1 to i32
    %sign3A_396 = arith.constant 0 : i32
    %sign3A_397 = arith.cmpi slt, %jit3A_384, %sign3A_396 : i32
    %sign3A_398 = arith.extui %sign3A_397 : i1 to i32
    %sign3A_399 = arith.subi %sign3A_395, %sign3A_398 : i32
    %ne3A_400 = arith.cmpi ne, %sign3A_392, %sign3A_399 : i32
    %rem3A_401 = arith.remsi %reduce_sum3A_383, %jit3A_384 : i32
    %ne3A_402 = arith.constant 0 : i32
    %ne3A_403 = arith.cmpi ne, %rem3A_401, %ne3A_402 : i32
    %and3A_404 = arith.andi %ne3A_400, %ne3A_403 : i1
    %sub3A_405 = arith.constant 1 : i32
    %sub3A_406 = arith.subi %div3A_385, %sub3A_405 : i32
    %select_n3A_407 = arith.select %and3A_404, %sub3A_406, %div3A_385 : i32
    %mul3A_408 = arith.constant 128 : i32
    %mul3A_409 = arith.muli %select_n3A_407, %mul3A_408 : i32
    %multiple_of3A_410 = tpu.assume_multiple %mul3A_409, 128 : i32
    %dma_start3A_411 = arith.constant 3 : i32
    %dma_start3A_412 = arith.constant 0 : i32
    %dma_start3A_413 = arith.constant 0 : i32
    %dma_start3A_414 = tpu.memref_slice %arg11[%dma_start3A_411, %dma_start3A_412, %dma_start3A_413] : memref<4x32x128xf32, #tpu.memory_space<vmem>> -> memref<1x32x128xf32, #tpu.memory_space<vmem>>
    %dma_start3A_415 = tpu.memref_squeeze %dma_start3A_414 : memref<1x32x128xf32, #tpu.memory_space<vmem>> -> memref<32x128xf32, #tpu.memory_space<vmem>>
    %dma_start3A_416 = arith.constant 0 : i32
    %dma_start3A_417 = tpu.memref_slice %arg5[%dma_start3A_416, %multiple_of3A_410] : memref<32x1000000xf32, #tpu.memory_space<hbm>> -> memref<32x128xf32, #tpu.memory_space<hbm>>
    %dma_start3A_418 = arith.constant 0 : i32
    %dma_start3A_419 = arith.constant 0 : i32
    %dma_start3A_420 = tpu.memref_slice %arg11[%dma_start3A_411, %dma_start3A_418, %dma_start3A_419] : memref<4x32x128xf32, #tpu.memory_space<vmem>> -> memref<1x32x128xf32, #tpu.memory_space<vmem>>
    %dma_start3A_421 = tpu.memref_squeeze %dma_start3A_420 : memref<1x32x128xf32, #tpu.memory_space<vmem>> -> memref<32x128xf32, #tpu.memory_space<vmem>>
    %dma_start3A_422 = arith.constant 0 : i32
    %dma_start3A_423 = tpu.memref_slice %arg5[%dma_start3A_422, %multiple_of3A_410] : memref<32x1000000xf32, #tpu.memory_space<hbm>> -> memref<32x128xf32, #tpu.memory_space<hbm>>
    tpu.enqueue_dma source(%dma_start3A_423 : memref<32x128xf32, #tpu.memory_space<hbm>>) target(%dma_start3A_421 : memref<32x128xf32, #tpu.memory_space<vmem>>) target_semaphore(%arg21 : memref<!tpu.dma_semaphore, #tpu.memory_space<semaphore_mem>>)
    %scan3A = arith.constant 0 : i32
    %scan3A_424 = arith.constant 0 : i32
    %scan3A_425 = arith.constant 32 : i32
    %scan3A_426 = arith.addi %scan3A_424, %scan3A_425 : i32
    %scan3A_427 = arith.constant 1 : i32
    scf.for %scan3A_429 = %scan3A_424 to %scan3A_426 step %scan3A_427  : i32 {
      %mul3A_430 = arith.constant 4 : i32
      %mul3A_431 = arith.muli %scan3A_429, %mul3A_430 : i32
      %add3A_432 = arith.constant 0 : i32
      %add3A_433 = arith.addi %mul3A_431, %add3A_432 : i32
      %dma_wait3A = arith.constant 0 : i32
      %dma_wait3A_434 = arith.constant 0 : i32
      %dma_wait3A_435 = arith.constant 0 : i32
      %dma_wait3A_436 = tpu.memref_slice %arg10[%dma_wait3A, %dma_wait3A_434, %dma_wait3A_435] : memref<4x32x128xf32, #tpu.memory_space<vmem>> -> memref<1x32x128xf32, #tpu.memory_space<vmem>>
      %dma_wait3A_437 = tpu.memref_squeeze %dma_wait3A_436 : memref<1x32x128xf32, #tpu.memory_space<vmem>> -> memref<32x128xf32, #tpu.memory_space<vmem>>
      %dma_wait3A_438 = arith.constant 0 : i32
      %dma_wait3A_439 = arith.constant 0 : i32
      %dma_wait3A_440 = tpu.memref_slice %arg4[%dma_wait3A_438, %dma_wait3A_439] : memref<32x1000000xf32, #tpu.memory_space<hbm>> -> memref<32x128xf32, #tpu.memory_space<hbm>>
      %dma_wait3A_441 = arith.constant 0 : i32
      %dma_wait3A_442 = arith.constant 0 : i32
      %dma_wait3A_443 = tpu.memref_slice %arg10[%dma_wait3A, %dma_wait3A_441, %dma_wait3A_442] : memref<4x32x128xf32, #tpu.memory_space<vmem>> -> memref<1x32x128xf32, #tpu.memory_space<vmem>>
      %dma_wait3A_444 = tpu.memref_squeeze %dma_wait3A_443 : memref<1x32x128xf32, #tpu.memory_space<vmem>> -> memref<32x128xf32, #tpu.memory_space<vmem>>
      %dma_wait3A_445 = arith.constant 0 : i32
      %dma_wait3A_446 = arith.constant 0 : i32
      %dma_wait3A_447 = tpu.memref_slice %arg4[%dma_wait3A_445, %dma_wait3A_446] : memref<32x1000000xf32, #tpu.memory_space<hbm>> -> memref<32x128xf32, #tpu.memory_space<hbm>>
      tpu.wait_dma2 semaphore(%arg14 : memref<!tpu.dma_semaphore, #tpu.memory_space<semaphore_mem>>) src(%dma_wait3A_447 : memref<32x128xf32, #tpu.memory_space<hbm>>) dst(%dma_wait3A_444 : memref<32x128xf32, #tpu.memory_space<vmem>>)
      %jit3A_448 = arith.constant 16 : i32
      %div3A_449 = arith.divsi %add3A_433, %jit3A_448 : i32
      %sign3A_450 = arith.constant 0 : i32
      %sign3A_451 = arith.cmpi sgt, %add3A_433, %sign3A_450 : i32
      %sign3A_452 = arith.extui %sign3A_451 : i1 to i32
      %sign3A_453 = arith.constant 0 : i32
      %sign3A_454 = arith.cmpi slt, %add3A_433, %sign3A_453 : i32
      %sign3A_455 = arith.extui %sign3A_454 : i1 to i32
      %sign3A_456 = arith.subi %sign3A_452, %sign3A_455 : i32
      %sign3A_457 = arith.constant 0 : i32
      %sign3A_458 = arith.cmpi sgt, %jit3A_448, %sign3A_457 : i32
      %sign3A_459 = arith.extui %sign3A_458 : i1 to i32
      %sign3A_460 = arith.constant 0 : i32
      %sign3A_461 = arith.cmpi slt, %jit3A_448, %sign3A_460 : i32
      %sign3A_462 = arith.extui %sign3A_461 : i1 to i32
      %sign3A_463 = arith.subi %sign3A_459, %sign3A_462 : i32
      %ne3A_464 = arith.cmpi ne, %sign3A_456, %sign3A_463 : i32
      %rem3A_465 = arith.remsi %add3A_433, %jit3A_448 : i32
      %ne3A_466 = arith.constant 0 : i32
      %ne3A_467 = arith.cmpi ne, %rem3A_465, %ne3A_466 : i32
      %and3A_468 = arith.andi %ne3A_464, %ne3A_467 : i1
      %sub3A_469 = arith.constant 1 : i32
      %sub3A_470 = arith.subi %div3A_449, %sub3A_469 : i32
      %select_n3A_471 = arith.select %and3A_468, %sub3A_470, %div3A_449 : i32
      %mul3A_472 = arith.constant 16 : i32
      %mul3A_473 = arith.muli %select_n3A_471, %mul3A_472 : i32
      %get3A_474 = arith.index_cast %mul3A_473 : i32 to index
      %get3A_475 = tpu.vector_load %arg8[%get3A_474] {strides = array<i32>} : memref<128xi32, #tpu.memory_space<vmem>>, vector<16xi32>,
      %rem3A_476 = arith.constant 16 : i32
      %rem3A_477 = arith.remsi %add3A_433, %rem3A_476 : i32
      %eq3A_478 = vector.broadcast %rem3A_477 : i32 to vector<16xi32>
      %eq3A_479 = arith.cmpi eq, %iota3A, %eq3A_478 : vector<16xi32>
      %jit3A_480 = arith.constant 0 : i32
      %broadcast_in_dim3A_481 = vector.broadcast %jit3A_480 : i32 to vector<16xi32>
      %select_n3A_482 = arith.select %eq3A_479, %get3A_475, %broadcast_in_dim3A_481 : vector<16xi1>, vector<16xi32>
      %reduce_sum3A_483 = arith.constant true
      %reduce_sum3A_484 = vector.broadcast %reduce_sum3A_483 : i1 to vector<16xi1>
      %reduce_sum3A_485 = tpu.scan <sum>, %select_n3A_482 masked %reduce_sum3A_484 : vector<16xi32>, vector<16xi1> -> vector<16xi32>
      %reduce_sum3A_486 = vector.extract %reduce_sum3A_485[15] : i32 from vector<16xi32>
      %rem3A_487 = arith.constant 128 : i32
      %rem3A_488 = arith.remsi %reduce_sum3A_486, %rem3A_487 : i32
      %broadcast_in_dim3A_489 = arith.constant 0 : i32
      %broadcast_in_dim3A_490 = vector.broadcast %broadcast_in_dim3A_489 : i32 to vector<16xi32>
      %broadcast_in_dim3A_491 = vector.broadcast %rem3A_488 : i32 to vector<16xi32>
      %broadcast_in_dim3A_492 = vector.broadcast %add3A_433 : i32 to vector<16xi32>
      %gather3A = tpu.vector_load_idx %arg10[%broadcast_in_dim3A_490, %iota3A, %broadcast_in_dim3A_491] : memref<4x32x128xf32, #tpu.memory_space<vmem>>[vector<16xi32>, vector<16xi32>, vector<16xi32>], vector<16xf32>,
      %gather3A_493 = tpu.vector_load_idx %arg10[%broadcast_in_dim3A_490, %add3A_5, %broadcast_in_dim3A_491] : memref<4x32x128xf32, #tpu.memory_space<vmem>>[vector<16xi32>, vector<16xi32>, vector<16xi32>], vector<16xf32>,
      tpu.vector_store_idx %arg12[%iota3A, %broadcast_in_dim3A_492], %gather3A : memref<32x128xf32, #tpu.memory_space<vmem>>[vector<16xi32>, vector<16xi32>], vector<16xf32>,
      tpu.vector_store_idx %arg12[%add3A_5, %broadcast_in_dim3A_492], %gather3A_493 : memref<32x128xf32, #tpu.memory_space<vmem>>[vector<16xi32>, vector<16xi32>], vector<16xf32>,
      %dma_wait3A_494 = arith.constant 0 : i32
      %dma_wait3A_495 = arith.constant 0 : i32
      %dma_wait3A_496 = arith.constant 0 : i32
      %dma_wait3A_497 = tpu.memref_slice %arg11[%dma_wait3A_494, %dma_wait3A_495, %dma_wait3A_496] : memref<4x32x128xf32, #tpu.memory_space<vmem>> -> memref<1x32x128xf32, #tpu.memory_space<vmem>>
      %dma_wait3A_498 = tpu.memref_squeeze %dma_wait3A_497 : memref<1x32x128xf32, #tpu.memory_space<vmem>> -> memref<32x128xf32, #tpu.memory_space<vmem>>
      %dma_wait3A_499 = arith.constant 0 : i32
      %dma_wait3A_500 = arith.constant 0 : i32
      %dma_wait3A_501 = tpu.memref_slice %arg5[%dma_wait3A_499, %dma_wait3A_500] : memref<32x1000000xf32, #tpu.memory_space<hbm>> -> memref<32x128xf32, #tpu.memory_space<hbm>>
      %dma_wait3A_502 = arith.constant 0 : i32
      %dma_wait3A_503 = arith.constant 0 : i32
      %dma_wait3A_504 = tpu.memref_slice %arg11[%dma_wait3A_494, %dma_wait3A_502, %dma_wait3A_503] : memref<4x32x128xf32, #tpu.memory_space<vmem>> -> memref<1x32x128xf32, #tpu.memory_space<vmem>>
      %dma_wait3A_505 = tpu.memref_squeeze %dma_wait3A_504 : memref<1x32x128xf32, #tpu.memory_space<vmem>> -> memref<32x128xf32, #tpu.memory_space<vmem>>
      %dma_wait3A_506 = arith.constant 0 : i32
      %dma_wait3A_507 = arith.constant 0 : i32
      %dma_wait3A_508 = tpu.memref_slice %arg5[%dma_wait3A_506, %dma_wait3A_507] : memref<32x1000000xf32, #tpu.memory_space<hbm>> -> memref<32x128xf32, #tpu.memory_space<hbm>>
      tpu.wait_dma2 semaphore(%arg18 : memref<!tpu.dma_semaphore, #tpu.memory_space<semaphore_mem>>) src(%dma_wait3A_508 : memref<32x128xf32, #tpu.memory_space<hbm>>) dst(%dma_wait3A_505 : memref<32x128xf32, #tpu.memory_space<vmem>>)
      %jit3A_509 = arith.constant 16 : i32
      %div3A_510 = arith.divsi %add3A_433, %jit3A_509 : i32
      %sign3A_511 = arith.constant 0 : i32
      %sign3A_512 = arith.cmpi sgt, %add3A_433, %sign3A_511 : i32
      %sign3A_513 = arith.extui %sign3A_512 : i1 to i32
      %sign3A_514 = arith.constant 0 : i32
      %sign3A_515 = arith.cmpi slt, %add3A_433, %sign3A_514 : i32
      %sign3A_516 = arith.extui %sign3A_515 : i1 to i32
      %sign3A_517 = arith.subi %sign3A_513, %sign3A_516 : i32
      %sign3A_518 = arith.constant 0 : i32
      %sign3A_519 = arith.cmpi sgt, %jit3A_509, %sign3A_518 : i32
      %sign3A_520 = arith.extui %sign3A_519 : i1 to i32
      %sign3A_521 = arith.constant 0 : i32
      %sign3A_522 = arith.cmpi slt, %jit3A_509, %sign3A_521 : i32
      %sign3A_523 = arith.extui %sign3A_522 : i1 to i32
      %sign3A_524 = arith.subi %sign3A_520, %sign3A_523 : i32
      %ne3A_525 = arith.cmpi ne, %sign3A_517, %sign3A_524 : i32
      %rem3A_526 = arith.remsi %add3A_433, %jit3A_509 : i32
      %ne3A_527 = arith.constant 0 : i32
      %ne3A_528 = arith.cmpi ne, %rem3A_526, %ne3A_527 : i32
      %and3A_529 = arith.andi %ne3A_525, %ne3A_528 : i1
      %sub3A_530 = arith.constant 1 : i32
      %sub3A_531 = arith.subi %div3A_510, %sub3A_530 : i32
      %select_n3A_532 = arith.select %and3A_529, %sub3A_531, %div3A_510 : i32
      %mul3A_533 = arith.constant 16 : i32
      %mul3A_534 = arith.muli %select_n3A_532, %mul3A_533 : i32
      %get3A_535 = arith.index_cast %mul3A_534 : i32 to index
      %get3A_536 = tpu.vector_load %arg9[%get3A_535] {strides = array<i32>} : memref<128xi32, #tpu.memory_space<vmem>>, vector<16xi32>,
      %rem3A_537 = arith.constant 16 : i32
      %rem3A_538 = arith.remsi %add3A_433, %rem3A_537 : i32
      %eq3A_539 = vector.broadcast %rem3A_538 : i32 to vector<16xi32>
      %eq3A_540 = arith.cmpi eq, %iota3A, %eq3A_539 : vector<16xi32>
      %jit3A_541 = arith.constant 0 : i32
      %broadcast_in_dim3A_542 = vector.broadcast %jit3A_541 : i32 to vector<16xi32>
      %select_n3A_543 = arith.select %eq3A_540, %get3A_536, %broadcast_in_dim3A_542 : vector<16xi1>, vector<16xi32>
      %reduce_sum3A_544 = arith.constant true
      %reduce_sum3A_545 = vector.broadcast %reduce_sum3A_544 : i1 to vector<16xi1>
      %reduce_sum3A_546 = tpu.scan <sum>, %select_n3A_543 masked %reduce_sum3A_545 : vector<16xi32>, vector<16xi1> -> vector<16xi32>
      %reduce_sum3A_547 = vector.extract %reduce_sum3A_546[15] : i32 from vector<16xi32>
      %rem3A_548 = arith.constant 128 : i32
      %rem3A_549 = arith.remsi %reduce_sum3A_547, %rem3A_548 : i32
      %broadcast_in_dim3A_550 = arith.constant 0 : i32
      %broadcast_in_dim3A_551 = vector.broadcast %broadcast_in_dim3A_550 : i32 to vector<16xi32>
      %broadcast_in_dim3A_552 = vector.broadcast %rem3A_549 : i32 to vector<16xi32>
      %broadcast_in_dim3A_553 = vector.broadcast %add3A_433 : i32 to vector<16xi32>
      %gather3A_554 = tpu.vector_load_idx %arg11[%broadcast_in_dim3A_551, %iota3A, %broadcast_in_dim3A_552] : memref<4x32x128xf32, #tpu.memory_space<vmem>>[vector<16xi32>, vector<16xi32>, vector<16xi32>], vector<16xf32>,
      %gather3A_555 = tpu.vector_load_idx %arg11[%broadcast_in_dim3A_551, %add3A_5, %broadcast_in_dim3A_552] : memref<4x32x128xf32, #tpu.memory_space<vmem>>[vector<16xi32>, vector<16xi32>, vector<16xi32>], vector<16xf32>,
      tpu.vector_store_idx %arg13[%iota3A, %broadcast_in_dim3A_553], %gather3A_554 : memref<32x128xf32, #tpu.memory_space<vmem>>[vector<16xi32>, vector<16xi32>], vector<16xf32>,
      tpu.vector_store_idx %arg13[%add3A_5, %broadcast_in_dim3A_553], %gather3A_555 : memref<32x128xf32, #tpu.memory_space<vmem>>[vector<16xi32>, vector<16xi32>], vector<16xf32>,
      %add3A_556 = arith.constant 4 : i32
      %add3A_557 = arith.addi %add3A_433, %add3A_556 : i32
      %lt3A = arith.constant 128 : i32
      %lt3A_558 = arith.cmpi slt, %add3A_557, %lt3A : i32
      %convert_element_type3A = arith.extui %lt3A_558 : i1 to i32
      %cond3A = arith.constant 0 : i32
      %cond3A_559 = arith.cmpi ne, %convert_element_type3A, %cond3A : i32
      scf.if %cond3A_559 {
        %add3A_965 = arith.constant 4 : i32
        %add3A_966 = arith.addi %add3A_433, %add3A_965 : i32
        %jit3A_967 = arith.constant 16 : i32
        %div3A_968 = arith.divsi %add3A_966, %jit3A_967 : i32
        %sign3A_969 = arith.constant 0 : i32
        %sign3A_970 = arith.cmpi sgt, %add3A_966, %sign3A_969 : i32
        %sign3A_971 = arith.extui %sign3A_970 : i1 to i32
        %sign3A_972 = arith.constant 0 : i32
        %sign3A_973 = arith.cmpi slt, %add3A_966, %sign3A_972 : i32
        %sign3A_974 = arith.extui %sign3A_973 : i1 to i32
        %sign3A_975 = arith.subi %sign3A_971, %sign3A_974 : i32
        %sign3A_976 = arith.constant 0 : i32
        %sign3A_977 = arith.cmpi sgt, %jit3A_967, %sign3A_976 : i32
        %sign3A_978 = arith.extui %sign3A_977 : i1 to i32
        %sign3A_979 = arith.constant 0 : i32
        %sign3A_980 = arith.cmpi slt, %jit3A_967, %sign3A_979 : i32
        %sign3A_981 = arith.extui %sign3A_980 : i1 to i32
        %sign3A_982 = arith.subi %sign3A_978, %sign3A_981 : i32
        %ne3A_983 = arith.cmpi ne, %sign3A_975, %sign3A_982 : i32
        %rem3A_984 = arith.remsi %add3A_966, %jit3A_967 : i32
        %ne3A_985 = arith.constant 0 : i32
        %ne3A_986 = arith.cmpi ne, %rem3A_984, %ne3A_985 : i32
        %and3A_987 = arith.andi %ne3A_983, %ne3A_986 : i1
        %sub3A_988 = arith.constant 1 : i32
        %sub3A_989 = arith.subi %div3A_968, %sub3A_988 : i32
        %select_n3A_990 = arith.select %and3A_987, %sub3A_989, %div3A_968 : i32
        %mul3A_991 = arith.constant 16 : i32
        %mul3A_992 = arith.muli %select_n3A_990, %mul3A_991 : i32
        %get3A_993 = arith.index_cast %mul3A_992 : i32 to index
        %get3A_994 = tpu.vector_load %arg8[%get3A_993] {strides = array<i32>} : memref<128xi32, #tpu.memory_space<vmem>>, vector<16xi32>,
        %rem3A_995 = arith.constant 16 : i32
        %rem3A_996 = arith.remsi %add3A_966, %rem3A_995 : i32
        %eq3A_997 = vector.broadcast %rem3A_996 : i32 to vector<16xi32>
        %eq3A_998 = arith.cmpi eq, %iota3A, %eq3A_997 : vector<16xi32>
        %jit3A_999 = arith.constant 0 : i32
        %broadcast_in_dim3A_1000 = vector.broadcast %jit3A_999 : i32 to vector<16xi32>
        %select_n3A_1001 = arith.select %eq3A_998, %get3A_994, %broadcast_in_dim3A_1000 : vector<16xi1>, vector<16xi32>
        %reduce_sum3A_1002 = arith.constant true
        %reduce_sum3A_1003 = vector.broadcast %reduce_sum3A_1002 : i1 to vector<16xi1>
        %reduce_sum3A_1004 = tpu.scan <sum>, %select_n3A_1001 masked %reduce_sum3A_1003 : vector<16xi32>, vector<16xi1> -> vector<16xi32>
        %reduce_sum3A_1005 = vector.extract %reduce_sum3A_1004[15] : i32 from vector<16xi32>
        %jit3A_1006 = arith.constant 128 : i32
        %div3A_1007 = arith.divsi %reduce_sum3A_1005, %jit3A_1006 : i32
        %sign3A_1008 = arith.constant 0 : i32
        %sign3A_1009 = arith.cmpi sgt, %reduce_sum3A_1005, %sign3A_1008 : i32
        %sign3A_1010 = arith.extui %sign3A_1009 : i1 to i32
        %sign3A_1011 = arith.constant 0 : i32
        %sign3A_1012 = arith.cmpi slt, %reduce_sum3A_1005, %sign3A_1011 : i32
        %sign3A_1013 = arith.extui %sign3A_1012 : i1 to i32
        %sign3A_1014 = arith.subi %sign3A_1010, %sign3A_1013 : i32
        %sign3A_1015 = arith.constant 0 : i32
        %sign3A_1016 = arith.cmpi sgt, %jit3A_1006, %sign3A_1015 : i32
        %sign3A_1017 = arith.extui %sign3A_1016 : i1 to i32
        %sign3A_1018 = arith.constant 0 : i32
        %sign3A_1019 = arith.cmpi slt, %jit3A_1006, %sign3A_1018 : i32
        %sign3A_1020 = arith.extui %sign3A_1019 : i1 to i32
        %sign3A_1021 = arith.subi %sign3A_1017, %sign3A_1020 : i32
        %ne3A_1022 = arith.cmpi ne, %sign3A_1014, %sign3A_1021 : i32
        %rem3A_1023 = arith.remsi %reduce_sum3A_1005, %jit3A_1006 : i32
        %ne3A_1024 = arith.constant 0 : i32
        %ne3A_1025 = arith.cmpi ne, %rem3A_1023, %ne3A_1024 : i32
        %and3A_1026 = arith.andi %ne3A_1022, %ne3A_1025 : i1
        %sub3A_1027 = arith.constant 1 : i32
        %sub3A_1028 = arith.subi %div3A_1007, %sub3A_1027 : i32
        %select_n3A_1029 = arith.select %and3A_1026, %sub3A_1028, %div3A_1007 : i32
        %mul3A_1030 = arith.constant 128 : i32
        %mul3A_1031 = arith.muli %select_n3A_1029, %mul3A_1030 : i32
        %multiple_of3A_1032 = tpu.assume_multiple %mul3A_1031, 128 : i32
        %dma_start3A_1033 = arith.constant 0 : i32
        %dma_start3A_1034 = arith.constant 0 : i32
        %dma_start3A_1035 = arith.constant 0 : i32
        %dma_start3A_1036 = tpu.memref_slice %arg10[%dma_start3A_1033, %dma_start3A_1034, %dma_start3A_1035] : memref<4x32x128xf32, #tpu.memory_space<vmem>> -> memref<1x32x128xf32, #tpu.memory_space<vmem>>
        %dma_start3A_1037 = tpu.memref_squeeze %dma_start3A_1036 : memref<1x32x128xf32, #tpu.memory_space<vmem>> -> memref<32x128xf32, #tpu.memory_space<vmem>>
        %dma_start3A_1038 = arith.constant 0 : i32
        %dma_start3A_1039 = tpu.memref_slice %arg4[%dma_start3A_1038, %multiple_of3A_1032] : memref<32x1000000xf32, #tpu.memory_space<hbm>> -> memref<32x128xf32, #tpu.memory_space<hbm>>
        %dma_start3A_1040 = arith.constant 0 : i32
        %dma_start3A_1041 = arith.constant 0 : i32
        %dma_start3A_1042 = tpu.memref_slice %arg10[%dma_start3A_1033, %dma_start3A_1040, %dma_start3A_1041] : memref<4x32x128xf32, #tpu.memory_space<vmem>> -> memref<1x32x128xf32, #tpu.memory_space<vmem>>
        %dma_start3A_1043 = tpu.memref_squeeze %dma_start3A_1042 : memref<1x32x128xf32, #tpu.memory_space<vmem>> -> memref<32x128xf32, #tpu.memory_space<vmem>>
        %dma_start3A_1044 = arith.constant 0 : i32
        %dma_start3A_1045 = tpu.memref_slice %arg4[%dma_start3A_1044, %multiple_of3A_1032] : memref<32x1000000xf32, #tpu.memory_space<hbm>> -> memref<32x128xf32, #tpu.memory_space<hbm>>
        tpu.enqueue_dma source(%dma_start3A_1045 : memref<32x128xf32, #tpu.memory_space<hbm>>) target(%dma_start3A_1043 : memref<32x128xf32, #tpu.memory_space<vmem>>) target_semaphore(%arg14 : memref<!tpu.dma_semaphore, #tpu.memory_space<semaphore_mem>>)
        %add3A_1046 = arith.constant 4 : i32
        %add3A_1047 = arith.addi %add3A_433, %add3A_1046 : i32
        %jit3A_1048 = arith.constant 16 : i32
        %div3A_1049 = arith.divsi %add3A_1047, %jit3A_1048 : i32
        %sign3A_1050 = arith.constant 0 : i32
        %sign3A_1051 = arith.cmpi sgt, %add3A_1047, %sign3A_1050 : i32
        %sign3A_1052 = arith.extui %sign3A_1051 : i1 to i32
        %sign3A_1053 = arith.constant 0 : i32
        %sign3A_1054 = arith.cmpi slt, %add3A_1047, %sign3A_1053 : i32
        %sign3A_1055 = arith.extui %sign3A_1054 : i1 to i32
        %sign3A_1056 = arith.subi %sign3A_1052, %sign3A_1055 : i32
        %sign3A_1057 = arith.constant 0 : i32
        %sign3A_1058 = arith.cmpi sgt, %jit3A_1048, %sign3A_1057 : i32
        %sign3A_1059 = arith.extui %sign3A_1058 : i1 to i32
        %sign3A_1060 = arith.constant 0 : i32
        %sign3A_1061 = arith.cmpi slt, %jit3A_1048, %sign3A_1060 : i32
        %sign3A_1062 = arith.extui %sign3A_1061 : i1 to i32
        %sign3A_1063 = arith.subi %sign3A_1059, %sign3A_1062 : i32
        %ne3A_1064 = arith.cmpi ne, %sign3A_1056, %sign3A_1063 : i32
        %rem3A_1065 = arith.remsi %add3A_1047, %jit3A_1048 : i32
        %ne3A_1066 = arith.constant 0 : i32
        %ne3A_1067 = arith.cmpi ne, %rem3A_1065, %ne3A_1066 : i32
        %and3A_1068 = arith.andi %ne3A_1064, %ne3A_1067 : i1
        %sub3A_1069 = arith.constant 1 : i32
        %sub3A_1070 = arith.subi %div3A_1049, %sub3A_1069 : i32
        %select_n3A_1071 = arith.select %and3A_1068, %sub3A_1070, %div3A_1049 : i32
        %mul3A_1072 = arith.constant 16 : i32
        %mul3A_1073 = arith.muli %select_n3A_1071, %mul3A_1072 : i32
        %get3A_1074 = arith.index_cast %mul3A_1073 : i32 to index
        %get3A_1075 = tpu.vector_load %arg9[%get3A_1074] {strides = array<i32>} : memref<128xi32, #tpu.memory_space<vmem>>, vector<16xi32>,
        %rem3A_1076 = arith.constant 16 : i32
        %rem3A_1077 = arith.remsi %add3A_1047, %rem3A_1076 : i32
        %eq3A_1078 = vector.broadcast %rem3A_1077 : i32 to vector<16xi32>
        %eq3A_1079 = arith.cmpi eq, %iota3A, %eq3A_1078 : vector<16xi32>
        %jit3A_1080 = arith.constant 0 : i32
        %broadcast_in_dim3A_1081 = vector.broadcast %jit3A_1080 : i32 to vector<16xi32>
        %select_n3A_1082 = arith.select %eq3A_1079, %get3A_1075, %broadcast_in_dim3A_1081 : vector<16xi1>, vector<16xi32>
        %reduce_sum3A_1083 = arith.constant true
        %reduce_sum3A_1084 = vector.broadcast %reduce_sum3A_1083 : i1 to vector<16xi1>
        %reduce_sum3A_1085 = tpu.scan <sum>, %select_n3A_1082 masked %reduce_sum3A_1084 : vector<16xi32>, vector<16xi1> -> vector<16xi32>
        %reduce_sum3A_1086 = vector.extract %reduce_sum3A_1085[15] : i32 from vector<16xi32>
        %jit3A_1087 = arith.constant 128 : i32
        %div3A_1088 = arith.divsi %reduce_sum3A_1086, %jit3A_1087 : i32
        %sign3A_1089 = arith.constant 0 : i32
        %sign3A_1090 = arith.cmpi sgt, %reduce_sum3A_1086, %sign3A_1089 : i32
        %sign3A_1091 = arith.extui %sign3A_1090 : i1 to i32
        %sign3A_1092 = arith.constant 0 : i32
        %sign3A_1093 = arith.cmpi slt, %reduce_sum3A_1086, %sign3A_1092 : i32
        %sign3A_1094 = arith.extui %sign3A_1093 : i1 to i32
        %sign3A_1095 = arith.subi %sign3A_1091, %sign3A_1094 : i32
        %sign3A_1096 = arith.constant 0 : i32
        %sign3A_1097 = arith.cmpi sgt, %jit3A_1087, %sign3A_1096 : i32
        %sign3A_1098 = arith.extui %sign3A_1097 : i1 to i32
        %sign3A_1099 = arith.constant 0 : i32
        %sign3A_1100 = arith.cmpi slt, %jit3A_1087, %sign3A_1099 : i32
        %sign3A_1101 = arith.extui %sign3A_1100 : i1 to i32
        %sign3A_1102 = arith.subi %sign3A_1098, %sign3A_1101 : i32
        %ne3A_1103 = arith.cmpi ne, %sign3A_1095, %sign3A_1102 : i32
        %rem3A_1104 = arith.remsi %reduce_sum3A_1086, %jit3A_1087 : i32
        %ne3A_1105 = arith.constant 0 : i32
        %ne3A_1106 = arith.cmpi ne, %rem3A_1104, %ne3A_1105 : i32
        %and3A_1107 = arith.andi %ne3A_1103, %ne3A_1106 : i1
        %sub3A_1108 = arith.constant 1 : i32
        %sub3A_1109 = arith.subi %div3A_1088, %sub3A_1108 : i32
        %select_n3A_1110 = arith.select %and3A_1107, %sub3A_1109, %div3A_1088 : i32
        %mul3A_1111 = arith.constant 128 : i32
        %mul3A_1112 = arith.muli %select_n3A_1110, %mul3A_1111 : i32
        %multiple_of3A_1113 = tpu.assume_multiple %mul3A_1112, 128 : i32
        %dma_start3A_1114 = arith.constant 0 : i32
        %dma_start3A_1115 = arith.constant 0 : i32
        %dma_start3A_1116 = arith.constant 0 : i32
        %dma_start3A_1117 = tpu.memref_slice %arg11[%dma_start3A_1114, %dma_start3A_1115, %dma_start3A_1116] : memref<4x32x128xf32, #tpu.memory_space<vmem>> -> memref<1x32x128xf32, #tpu.memory_space<vmem>>
        %dma_start3A_1118 = tpu.memref_squeeze %dma_start3A_1117 : memref<1x32x128xf32, #tpu.memory_space<vmem>> -> memref<32x128xf32, #tpu.memory_space<vmem>>
        %dma_start3A_1119 = arith.constant 0 : i32
        %dma_start3A_1120 = tpu.memref_slice %arg5[%dma_start3A_1119, %multiple_of3A_1113] : memref<32x1000000xf32, #tpu.memory_space<hbm>> -> memref<32x128xf32, #tpu.memory_space<hbm>>
        %dma_start3A_1121 = arith.constant 0 : i32
        %dma_start3A_1122 = arith.constant 0 : i32
        %dma_start3A_1123 = tpu.memref_slice %arg11[%dma_start3A_1114, %dma_start3A_1121, %dma_start3A_1122] : memref<4x32x128xf32, #tpu.memory_space<vmem>> -> memref<1x32x128xf32, #tpu.memory_space<vmem>>
        %dma_start3A_1124 = tpu.memref_squeeze %dma_start3A_1123 : memref<1x32x128xf32, #tpu.memory_space<vmem>> -> memref<32x128xf32, #tpu.memory_space<vmem>>
        %dma_start3A_1125 = arith.constant 0 : i32
        %dma_start3A_1126 = tpu.memref_slice %arg5[%dma_start3A_1125, %multiple_of3A_1113] : memref<32x1000000xf32, #tpu.memory_space<hbm>> -> memref<32x128xf32, #tpu.memory_space<hbm>>
        tpu.enqueue_dma source(%dma_start3A_1126 : memref<32x128xf32, #tpu.memory_space<hbm>>) target(%dma_start3A_1124 : memref<32x128xf32, #tpu.memory_space<vmem>>) target_semaphore(%arg18 : memref<!tpu.dma_semaphore, #tpu.memory_space<semaphore_mem>>)
      } else {
      }
      %mul3A_560 = arith.constant 4 : i32
      %mul3A_561 = arith.muli %scan3A_429, %mul3A_560 : i32
      %add3A_562 = arith.constant 1 : i32
      %add3A_563 = arith.addi %mul3A_561, %add3A_562 : i32
      %dma_wait3A_564 = arith.constant 1 : i32
      %dma_wait3A_565 = arith.constant 0 : i32
      %dma_wait3A_566 = arith.constant 0 : i32
      %dma_wait3A_567 = tpu.memref_slice %arg10[%dma_wait3A_564, %dma_wait3A_565, %dma_wait3A_566] : memref<4x32x128xf32, #tpu.memory_space<vmem>> -> memref<1x32x128xf32, #tpu.memory_space<vmem>>
      %dma_wait3A_568 = tpu.memref_squeeze %dma_wait3A_567 : memref<1x32x128xf32, #tpu.memory_space<vmem>> -> memref<32x128xf32, #tpu.memory_space<vmem>>
      %dma_wait3A_569 = arith.constant 0 : i32
      %dma_wait3A_570 = arith.constant 0 : i32
      %dma_wait3A_571 = tpu.memref_slice %arg4[%dma_wait3A_569, %dma_wait3A_570] : memref<32x1000000xf32, #tpu.memory_space<hbm>> -> memref<32x128xf32, #tpu.memory_space<hbm>>
      %dma_wait3A_572 = arith.constant 0 : i32
      %dma_wait3A_573 = arith.constant 0 : i32
      %dma_wait3A_574 = tpu.memref_slice %arg10[%dma_wait3A_564, %dma_wait3A_572, %dma_wait3A_573] : memref<4x32x128xf32, #tpu.memory_space<vmem>> -> memref<1x32x128xf32, #tpu.memory_space<vmem>>
      %dma_wait3A_575 = tpu.memref_squeeze %dma_wait3A_574 : memref<1x32x128xf32, #tpu.memory_space<vmem>> -> memref<32x128xf32, #tpu.memory_space<vmem>>
      %dma_wait3A_576 = arith.constant 0 : i32
      %dma_wait3A_577 = arith.constant 0 : i32
      %dma_wait3A_578 = tpu.memref_slice %arg4[%dma_wait3A_576, %dma_wait3A_577] : memref<32x1000000xf32, #tpu.memory_space<hbm>> -> memref<32x128xf32, #tpu.memory_space<hbm>>
      tpu.wait_dma2 semaphore(%arg15 : memref<!tpu.dma_semaphore, #tpu.memory_space<semaphore_mem>>) src(%dma_wait3A_578 : memref<32x128xf32, #tpu.memory_space<hbm>>) dst(%dma_wait3A_575 : memref<32x128xf32, #tpu.memory_space<vmem>>)
      %jit3A_579 = arith.constant 16 : i32
      %div3A_580 = arith.divsi %add3A_563, %jit3A_579 : i32
      %sign3A_581 = arith.constant 0 : i32
      %sign3A_582 = arith.cmpi sgt, %add3A_563, %sign3A_581 : i32
      %sign3A_583 = arith.extui %sign3A_582 : i1 to i32
      %sign3A_584 = arith.constant 0 : i32
      %sign3A_585 = arith.cmpi slt, %add3A_563, %sign3A_584 : i32
      %sign3A_586 = arith.extui %sign3A_585 : i1 to i32
      %sign3A_587 = arith.subi %sign3A_583, %sign3A_586 : i32
      %sign3A_588 = arith.constant 0 : i32
      %sign3A_589 = arith.cmpi sgt, %jit3A_579, %sign3A_588 : i32
      %sign3A_590 = arith.extui %sign3A_589 : i1 to i32
      %sign3A_591 = arith.constant 0 : i32
      %sign3A_592 = arith.cmpi slt, %jit3A_579, %sign3A_591 : i32
      %sign3A_593 = arith.extui %sign3A_592 : i1 to i32
      %sign3A_594 = arith.subi %sign3A_590, %sign3A_593 : i32
      %ne3A_595 = arith.cmpi ne, %sign3A_587, %sign3A_594 : i32
      %rem3A_596 = arith.remsi %add3A_563, %jit3A_579 : i32
      %ne3A_597 = arith.constant 0 : i32
      %ne3A_598 = arith.cmpi ne, %rem3A_596, %ne3A_597 : i32
      %and3A_599 = arith.andi %ne3A_595, %ne3A_598 : i1
      %sub3A_600 = arith.constant 1 : i32
      %sub3A_601 = arith.subi %div3A_580, %sub3A_600 : i32
      %select_n3A_602 = arith.select %and3A_599, %sub3A_601, %div3A_580 : i32
      %mul3A_603 = arith.constant 16 : i32
      %mul3A_604 = arith.muli %select_n3A_602, %mul3A_603 : i32
      %get3A_605 = arith.index_cast %mul3A_604 : i32 to index
      %get3A_606 = tpu.vector_load %arg8[%get3A_605] {strides = array<i32>} : memref<128xi32, #tpu.memory_space<vmem>>, vector<16xi32>,
      %rem3A_607 = arith.constant 16 : i32
      %rem3A_608 = arith.remsi %add3A_563, %rem3A_607 : i32
      %eq3A_609 = vector.broadcast %rem3A_608 : i32 to vector<16xi32>
      %eq3A_610 = arith.cmpi eq, %iota3A, %eq3A_609 : vector<16xi32>
      %jit3A_611 = arith.constant 0 : i32
      %broadcast_in_dim3A_612 = vector.broadcast %jit3A_611 : i32 to vector<16xi32>
      %select_n3A_613 = arith.select %eq3A_610, %get3A_606, %broadcast_in_dim3A_612 : vector<16xi1>, vector<16xi32>
      %reduce_sum3A_614 = arith.constant true
      %reduce_sum3A_615 = vector.broadcast %reduce_sum3A_614 : i1 to vector<16xi1>
      %reduce_sum3A_616 = tpu.scan <sum>, %select_n3A_613 masked %reduce_sum3A_615 : vector<16xi32>, vector<16xi1> -> vector<16xi32>
      %reduce_sum3A_617 = vector.extract %reduce_sum3A_616[15] : i32 from vector<16xi32>
      %rem3A_618 = arith.constant 128 : i32
      %rem3A_619 = arith.remsi %reduce_sum3A_617, %rem3A_618 : i32
      %broadcast_in_dim3A_620 = arith.constant 1 : i32
      %broadcast_in_dim3A_621 = vector.broadcast %broadcast_in_dim3A_620 : i32 to vector<16xi32>
      %broadcast_in_dim3A_622 = vector.broadcast %rem3A_619 : i32 to vector<16xi32>
      %broadcast_in_dim3A_623 = vector.broadcast %add3A_563 : i32 to vector<16xi32>
      %gather3A_624 = tpu.vector_load_idx %arg10[%broadcast_in_dim3A_621, %iota3A, %broadcast_in_dim3A_622] : memref<4x32x128xf32, #tpu.memory_space<vmem>>[vector<16xi32>, vector<16xi32>, vector<16xi32>], vector<16xf32>,
      %gather3A_625 = tpu.vector_load_idx %arg10[%broadcast_in_dim3A_621, %add3A_5, %broadcast_in_dim3A_622] : memref<4x32x128xf32, #tpu.memory_space<vmem>>[vector<16xi32>, vector<16xi32>, vector<16xi32>], vector<16xf32>,
      tpu.vector_store_idx %arg12[%iota3A, %broadcast_in_dim3A_623], %gather3A_624 : memref<32x128xf32, #tpu.memory_space<vmem>>[vector<16xi32>, vector<16xi32>], vector<16xf32>,
      tpu.vector_store_idx %arg12[%add3A_5, %broadcast_in_dim3A_623], %gather3A_625 : memref<32x128xf32, #tpu.memory_space<vmem>>[vector<16xi32>, vector<16xi32>], vector<16xf32>,
      %dma_wait3A_626 = arith.constant 1 : i32
      %dma_wait3A_627 = arith.constant 0 : i32
      %dma_wait3A_628 = arith.constant 0 : i32
      %dma_wait3A_629 = tpu.memref_slice %arg11[%dma_wait3A_626, %dma_wait3A_627, %dma_wait3A_628] : memref<4x32x128xf32, #tpu.memory_space<vmem>> -> memref<1x32x128xf32, #tpu.memory_space<vmem>>
      %dma_wait3A_630 = tpu.memref_squeeze %dma_wait3A_629 : memref<1x32x128xf32, #tpu.memory_space<vmem>> -> memref<32x128xf32, #tpu.memory_space<vmem>>
      %dma_wait3A_631 = arith.constant 0 : i32
      %dma_wait3A_632 = arith.constant 0 : i32
      %dma_wait3A_633 = tpu.memref_slice %arg5[%dma_wait3A_631, %dma_wait3A_632] : memref<32x1000000xf32, #tpu.memory_space<hbm>> -> memref<32x128xf32, #tpu.memory_space<hbm>>
      %dma_wait3A_634 = arith.constant 0 : i32
      %dma_wait3A_635 = arith.constant 0 : i32
      %dma_wait3A_636 = tpu.memref_slice %arg11[%dma_wait3A_626, %dma_wait3A_634, %dma_wait3A_635] : memref<4x32x128xf32, #tpu.memory_space<vmem>> -> memref<1x32x128xf32, #tpu.memory_space<vmem>>
      %dma_wait3A_637 = tpu.memref_squeeze %dma_wait3A_636 : memref<1x32x128xf32, #tpu.memory_space<vmem>> -> memref<32x128xf32, #tpu.memory_space<vmem>>
      %dma_wait3A_638 = arith.constant 0 : i32
      %dma_wait3A_639 = arith.constant 0 : i32
      %dma_wait3A_640 = tpu.memref_slice %arg5[%dma_wait3A_638, %dma_wait3A_639] : memref<32x1000000xf32, #tpu.memory_space<hbm>> -> memref<32x128xf32, #tpu.memory_space<hbm>>
      tpu.wait_dma2 semaphore(%arg19 : memref<!tpu.dma_semaphore, #tpu.memory_space<semaphore_mem>>) src(%dma_wait3A_640 : memref<32x128xf32, #tpu.memory_space<hbm>>) dst(%dma_wait3A_637 : memref<32x128xf32, #tpu.memory_space<vmem>>)
      %jit3A_641 = arith.constant 16 : i32
      %div3A_642 = arith.divsi %add3A_563, %jit3A_641 : i32
      %sign3A_643 = arith.constant 0 : i32
      %sign3A_644 = arith.cmpi sgt, %add3A_563, %sign3A_643 : i32
      %sign3A_645 = arith.extui %sign3A_644 : i1 to i32
      %sign3A_646 = arith.constant 0 : i32
      %sign3A_647 = arith.cmpi slt, %add3A_563, %sign3A_646 : i32
      %sign3A_648 = arith.extui %sign3A_647 : i1 to i32
      %sign3A_649 = arith.subi %sign3A_645, %sign3A_648 : i32
      %sign3A_650 = arith.constant 0 : i32
      %sign3A_651 = arith.cmpi sgt, %jit3A_641, %sign3A_650 : i32
      %sign3A_652 = arith.extui %sign3A_651 : i1 to i32
      %sign3A_653 = arith.constant 0 : i32
      %sign3A_654 = arith.cmpi slt, %jit3A_641, %sign3A_653 : i32
      %sign3A_655 = arith.extui %sign3A_654 : i1 to i32
      %sign3A_656 = arith.subi %sign3A_652, %sign3A_655 : i32
      %ne3A_657 = arith.cmpi ne, %sign3A_649, %sign3A_656 : i32
      %rem3A_658 = arith.remsi %add3A_563, %jit3A_641 : i32
      %ne3A_659 = arith.constant 0 : i32
      %ne3A_660 = arith.cmpi ne, %rem3A_658, %ne3A_659 : i32
      %and3A_661 = arith.andi %ne3A_657, %ne3A_660 : i1
      %sub3A_662 = arith.constant 1 : i32
      %sub3A_663 = arith.subi %div3A_642, %sub3A_662 : i32
      %select_n3A_664 = arith.select %and3A_661, %sub3A_663, %div3A_642 : i32
      %mul3A_665 = arith.constant 16 : i32
      %mul3A_666 = arith.muli %select_n3A_664, %mul3A_665 : i32
      %get3A_667 = arith.index_cast %mul3A_666 : i32 to index
      %get3A_668 = tpu.vector_load %arg9[%get3A_667] {strides = array<i32>} : memref<128xi32, #tpu.memory_space<vmem>>, vector<16xi32>,
      %rem3A_669 = arith.constant 16 : i32
      %rem3A_670 = arith.remsi %add3A_563, %rem3A_669 : i32
      %eq3A_671 = vector.broadcast %rem3A_670 : i32 to vector<16xi32>
      %eq3A_672 = arith.cmpi eq, %iota3A, %eq3A_671 : vector<16xi32>
      %jit3A_673 = arith.constant 0 : i32
      %broadcast_in_dim3A_674 = vector.broadcast %jit3A_673 : i32 to vector<16xi32>
      %select_n3A_675 = arith.select %eq3A_672, %get3A_668, %broadcast_in_dim3A_674 : vector<16xi1>, vector<16xi32>
      %reduce_sum3A_676 = arith.constant true
      %reduce_sum3A_677 = vector.broadcast %reduce_sum3A_676 : i1 to vector<16xi1>
      %reduce_sum3A_678 = tpu.scan <sum>, %select_n3A_675 masked %reduce_sum3A_677 : vector<16xi32>, vector<16xi1> -> vector<16xi32>
      %reduce_sum3A_679 = vector.extract %reduce_sum3A_678[15] : i32 from vector<16xi32>
      %rem3A_680 = arith.constant 128 : i32
      %rem3A_681 = arith.remsi %reduce_sum3A_679, %rem3A_680 : i32
      %broadcast_in_dim3A_682 = arith.constant 1 : i32
      %broadcast_in_dim3A_683 = vector.broadcast %broadcast_in_dim3A_682 : i32 to vector<16xi32>
      %broadcast_in_dim3A_684 = vector.broadcast %rem3A_681 : i32 to vector<16xi32>
      %broadcast_in_dim3A_685 = vector.broadcast %add3A_563 : i32 to vector<16xi32>
      %gather3A_686 = tpu.vector_load_idx %arg11[%broadcast_in_dim3A_683, %iota3A, %broadcast_in_dim3A_684] : memref<4x32x128xf32, #tpu.memory_space<vmem>>[vector<16xi32>, vector<16xi32>, vector<16xi32>], vector<16xf32>,
      %gather3A_687 = tpu.vector_load_idx %arg11[%broadcast_in_dim3A_683, %add3A_5, %broadcast_in_dim3A_684] : memref<4x32x128xf32, #tpu.memory_space<vmem>>[vector<16xi32>, vector<16xi32>, vector<16xi32>], vector<16xf32>,
      tpu.vector_store_idx %arg13[%iota3A, %broadcast_in_dim3A_685], %gather3A_686 : memref<32x128xf32, #tpu.memory_space<vmem>>[vector<16xi32>, vector<16xi32>], vector<16xf32>,
      tpu.vector_store_idx %arg13[%add3A_5, %broadcast_in_dim3A_685], %gather3A_687 : memref<32x128xf32, #tpu.memory_space<vmem>>[vector<16xi32>, vector<16xi32>], vector<16xf32>,
      %add3A_688 = arith.constant 4 : i32
      %add3A_689 = arith.addi %add3A_563, %add3A_688 : i32
      %lt3A_690 = arith.constant 128 : i32
      %lt3A_691 = arith.cmpi slt, %add3A_689, %lt3A_690 : i32
      %convert_element_type3A_692 = arith.extui %lt3A_691 : i1 to i32
      %cond3A_693 = arith.constant 0 : i32
      %cond3A_694 = arith.cmpi ne, %convert_element_type3A_692, %cond3A_693 : i32
      scf.if %cond3A_694 {
        %add3A_965 = arith.constant 4 : i32
        %add3A_966 = arith.addi %add3A_563, %add3A_965 : i32
        %jit3A_967 = arith.constant 16 : i32
        %div3A_968 = arith.divsi %add3A_966, %jit3A_967 : i32
        %sign3A_969 = arith.constant 0 : i32
        %sign3A_970 = arith.cmpi sgt, %add3A_966, %sign3A_969 : i32
        %sign3A_971 = arith.extui %sign3A_970 : i1 to i32
        %sign3A_972 = arith.constant 0 : i32
        %sign3A_973 = arith.cmpi slt, %add3A_966, %sign3A_972 : i32
        %sign3A_974 = arith.extui %sign3A_973 : i1 to i32
        %sign3A_975 = arith.subi %sign3A_971, %sign3A_974 : i32
        %sign3A_976 = arith.constant 0 : i32
        %sign3A_977 = arith.cmpi sgt, %jit3A_967, %sign3A_976 : i32
        %sign3A_978 = arith.extui %sign3A_977 : i1 to i32
        %sign3A_979 = arith.constant 0 : i32
        %sign3A_980 = arith.cmpi slt, %jit3A_967, %sign3A_979 : i32
        %sign3A_981 = arith.extui %sign3A_980 : i1 to i32
        %sign3A_982 = arith.subi %sign3A_978, %sign3A_981 : i32
        %ne3A_983 = arith.cmpi ne, %sign3A_975, %sign3A_982 : i32
        %rem3A_984 = arith.remsi %add3A_966, %jit3A_967 : i32
        %ne3A_985 = arith.constant 0 : i32
        %ne3A_986 = arith.cmpi ne, %rem3A_984, %ne3A_985 : i32
        %and3A_987 = arith.andi %ne3A_983, %ne3A_986 : i1
        %sub3A_988 = arith.constant 1 : i32
        %sub3A_989 = arith.subi %div3A_968, %sub3A_988 : i32
        %select_n3A_990 = arith.select %and3A_987, %sub3A_989, %div3A_968 : i32
        %mul3A_991 = arith.constant 16 : i32
        %mul3A_992 = arith.muli %select_n3A_990, %mul3A_991 : i32
        %get3A_993 = arith.index_cast %mul3A_992 : i32 to index
        %get3A_994 = tpu.vector_load %arg8[%get3A_993] {strides = array<i32>} : memref<128xi32, #tpu.memory_space<vmem>>, vector<16xi32>,
        %rem3A_995 = arith.constant 16 : i32
        %rem3A_996 = arith.remsi %add3A_966, %rem3A_995 : i32
        %eq3A_997 = vector.broadcast %rem3A_996 : i32 to vector<16xi32>
        %eq3A_998 = arith.cmpi eq, %iota3A, %eq3A_997 : vector<16xi32>
        %jit3A_999 = arith.constant 0 : i32
        %broadcast_in_dim3A_1000 = vector.broadcast %jit3A_999 : i32 to vector<16xi32>
        %select_n3A_1001 = arith.select %eq3A_998, %get3A_994, %broadcast_in_dim3A_1000 : vector<16xi1>, vector<16xi32>
        %reduce_sum3A_1002 = arith.constant true
        %reduce_sum3A_1003 = vector.broadcast %reduce_sum3A_1002 : i1 to vector<16xi1>
        %reduce_sum3A_1004 = tpu.scan <sum>, %select_n3A_1001 masked %reduce_sum3A_1003 : vector<16xi32>, vector<16xi1> -> vector<16xi32>
        %reduce_sum3A_1005 = vector.extract %reduce_sum3A_1004[15] : i32 from vector<16xi32>
        %jit3A_1006 = arith.constant 128 : i32
        %div3A_1007 = arith.divsi %reduce_sum3A_1005, %jit3A_1006 : i32
        %sign3A_1008 = arith.constant 0 : i32
        %sign3A_1009 = arith.cmpi sgt, %reduce_sum3A_1005, %sign3A_1008 : i32
        %sign3A_1010 = arith.extui %sign3A_1009 : i1 to i32
        %sign3A_1011 = arith.constant 0 : i32
        %sign3A_1012 = arith.cmpi slt, %reduce_sum3A_1005, %sign3A_1011 : i32
        %sign3A_1013 = arith.extui %sign3A_1012 : i1 to i32
        %sign3A_1014 = arith.subi %sign3A_1010, %sign3A_1013 : i32
        %sign3A_1015 = arith.constant 0 : i32
        %sign3A_1016 = arith.cmpi sgt, %jit3A_1006, %sign3A_1015 : i32
        %sign3A_1017 = arith.extui %sign3A_1016 : i1 to i32
        %sign3A_1018 = arith.constant 0 : i32
        %sign3A_1019 = arith.cmpi slt, %jit3A_1006, %sign3A_1018 : i32
        %sign3A_1020 = arith.extui %sign3A_1019 : i1 to i32
        %sign3A_1021 = arith.subi %sign3A_1017, %sign3A_1020 : i32
        %ne3A_1022 = arith.cmpi ne, %sign3A_1014, %sign3A_1021 : i32
        %rem3A_1023 = arith.remsi %reduce_sum3A_1005, %jit3A_1006 : i32
        %ne3A_1024 = arith.constant 0 : i32
        %ne3A_1025 = arith.cmpi ne, %rem3A_1023, %ne3A_1024 : i32
        %and3A_1026 = arith.andi %ne3A_1022, %ne3A_1025 : i1
        %sub3A_1027 = arith.constant 1 : i32
        %sub3A_1028 = arith.subi %div3A_1007, %sub3A_1027 : i32
        %select_n3A_1029 = arith.select %and3A_1026, %sub3A_1028, %div3A_1007 : i32
        %mul3A_1030 = arith.constant 128 : i32
        %mul3A_1031 = arith.muli %select_n3A_1029, %mul3A_1030 : i32
        %multiple_of3A_1032 = tpu.assume_multiple %mul3A_1031, 128 : i32
        %dma_start3A_1033 = arith.constant 1 : i32
        %dma_start3A_1034 = arith.constant 0 : i32
        %dma_start3A_1035 = arith.constant 0 : i32
        %dma_start3A_1036 = tpu.memref_slice %arg10[%dma_start3A_1033, %dma_start3A_1034, %dma_start3A_1035] : memref<4x32x128xf32, #tpu.memory_space<vmem>> -> memref<1x32x128xf32, #tpu.memory_space<vmem>>
        %dma_start3A_1037 = tpu.memref_squeeze %dma_start3A_1036 : memref<1x32x128xf32, #tpu.memory_space<vmem>> -> memref<32x128xf32, #tpu.memory_space<vmem>>
        %dma_start3A_1038 = arith.constant 0 : i32
        %dma_start3A_1039 = tpu.memref_slice %arg4[%dma_start3A_1038, %multiple_of3A_1032] : memref<32x1000000xf32, #tpu.memory_space<hbm>> -> memref<32x128xf32, #tpu.memory_space<hbm>>
        %dma_start3A_1040 = arith.constant 0 : i32
        %dma_start3A_1041 = arith.constant 0 : i32
        %dma_start3A_1042 = tpu.memref_slice %arg10[%dma_start3A_1033, %dma_start3A_1040, %dma_start3A_1041] : memref<4x32x128xf32, #tpu.memory_space<vmem>> -> memref<1x32x128xf32, #tpu.memory_space<vmem>>
        %dma_start3A_1043 = tpu.memref_squeeze %dma_start3A_1042 : memref<1x32x128xf32, #tpu.memory_space<vmem>> -> memref<32x128xf32, #tpu.memory_space<vmem>>
        %dma_start3A_1044 = arith.constant 0 : i32
        %dma_start3A_1045 = tpu.memref_slice %arg4[%dma_start3A_1044, %multiple_of3A_1032] : memref<32x1000000xf32, #tpu.memory_space<hbm>> -> memref<32x128xf32, #tpu.memory_space<hbm>>
        tpu.enqueue_dma source(%dma_start3A_1045 : memref<32x128xf32, #tpu.memory_space<hbm>>) target(%dma_start3A_1043 : memref<32x128xf32, #tpu.memory_space<vmem>>) target_semaphore(%arg15 : memref<!tpu.dma_semaphore, #tpu.memory_space<semaphore_mem>>)
        %add3A_1046 = arith.constant 4 : i32
        %add3A_1047 = arith.addi %add3A_563, %add3A_1046 : i32
        %jit3A_1048 = arith.constant 16 : i32
        %div3A_1049 = arith.divsi %add3A_1047, %jit3A_1048 : i32
        %sign3A_1050 = arith.constant 0 : i32
        %sign3A_1051 = arith.cmpi sgt, %add3A_1047, %sign3A_1050 : i32
        %sign3A_1052 = arith.extui %sign3A_1051 : i1 to i32
        %sign3A_1053 = arith.constant 0 : i32
        %sign3A_1054 = arith.cmpi slt, %add3A_1047, %sign3A_1053 : i32
        %sign3A_1055 = arith.extui %sign3A_1054 : i1 to i32
        %sign3A_1056 = arith.subi %sign3A_1052, %sign3A_1055 : i32
        %sign3A_1057 = arith.constant 0 : i32
        %sign3A_1058 = arith.cmpi sgt, %jit3A_1048, %sign3A_1057 : i32
        %sign3A_1059 = arith.extui %sign3A_1058 : i1 to i32
        %sign3A_1060 = arith.constant 0 : i32
        %sign3A_1061 = arith.cmpi slt, %jit3A_1048, %sign3A_1060 : i32
        %sign3A_1062 = arith.extui %sign3A_1061 : i1 to i32
        %sign3A_1063 = arith.subi %sign3A_1059, %sign3A_1062 : i32
        %ne3A_1064 = arith.cmpi ne, %sign3A_1056, %sign3A_1063 : i32
        %rem3A_1065 = arith.remsi %add3A_1047, %jit3A_1048 : i32
        %ne3A_1066 = arith.constant 0 : i32
        %ne3A_1067 = arith.cmpi ne, %rem3A_1065, %ne3A_1066 : i32
        %and3A_1068 = arith.andi %ne3A_1064, %ne3A_1067 : i1
        %sub3A_1069 = arith.constant 1 : i32
        %sub3A_1070 = arith.subi %div3A_1049, %sub3A_1069 : i32
        %select_n3A_1071 = arith.select %and3A_1068, %sub3A_1070, %div3A_1049 : i32
        %mul3A_1072 = arith.constant 16 : i32
        %mul3A_1073 = arith.muli %select_n3A_1071, %mul3A_1072 : i32
        %get3A_1074 = arith.index_cast %mul3A_1073 : i32 to index
        %get3A_1075 = tpu.vector_load %arg9[%get3A_1074] {strides = array<i32>} : memref<128xi32, #tpu.memory_space<vmem>>, vector<16xi32>,
        %rem3A_1076 = arith.constant 16 : i32
        %rem3A_1077 = arith.remsi %add3A_1047, %rem3A_1076 : i32
        %eq3A_1078 = vector.broadcast %rem3A_1077 : i32 to vector<16xi32>
        %eq3A_1079 = arith.cmpi eq, %iota3A, %eq3A_1078 : vector<16xi32>
        %jit3A_1080 = arith.constant 0 : i32
        %broadcast_in_dim3A_1081 = vector.broadcast %jit3A_1080 : i32 to vector<16xi32>
        %select_n3A_1082 = arith.select %eq3A_1079, %get3A_1075, %broadcast_in_dim3A_1081 : vector<16xi1>, vector<16xi32>
        %reduce_sum3A_1083 = arith.constant true
        %reduce_sum3A_1084 = vector.broadcast %reduce_sum3A_1083 : i1 to vector<16xi1>
        %reduce_sum3A_1085 = tpu.scan <sum>, %select_n3A_1082 masked %reduce_sum3A_1084 : vector<16xi32>, vector<16xi1> -> vector<16xi32>
        %reduce_sum3A_1086 = vector.extract %reduce_sum3A_1085[15] : i32 from vector<16xi32>
        %jit3A_1087 = arith.constant 128 : i32
        %div3A_1088 = arith.divsi %reduce_sum3A_1086, %jit3A_1087 : i32
        %sign3A_1089 = arith.constant 0 : i32
        %sign3A_1090 = arith.cmpi sgt, %reduce_sum3A_1086, %sign3A_1089 : i32
        %sign3A_1091 = arith.extui %sign3A_1090 : i1 to i32
        %sign3A_1092 = arith.constant 0 : i32
        %sign3A_1093 = arith.cmpi slt, %reduce_sum3A_1086, %sign3A_1092 : i32
        %sign3A_1094 = arith.extui %sign3A_1093 : i1 to i32
        %sign3A_1095 = arith.subi %sign3A_1091, %sign3A_1094 : i32
        %sign3A_1096 = arith.constant 0 : i32
        %sign3A_1097 = arith.cmpi sgt, %jit3A_1087, %sign3A_1096 : i32
        %sign3A_1098 = arith.extui %sign3A_1097 : i1 to i32
        %sign3A_1099 = arith.constant 0 : i32
        %sign3A_1100 = arith.cmpi slt, %jit3A_1087, %sign3A_1099 : i32
        %sign3A_1101 = arith.extui %sign3A_1100 : i1 to i32
        %sign3A_1102 = arith.subi %sign3A_1098, %sign3A_1101 : i32
        %ne3A_1103 = arith.cmpi ne, %sign3A_1095, %sign3A_1102 : i32
        %rem3A_1104 = arith.remsi %reduce_sum3A_1086, %jit3A_1087 : i32
        %ne3A_1105 = arith.constant 0 : i32
        %ne3A_1106 = arith.cmpi ne, %rem3A_1104, %ne3A_1105 : i32
        %and3A_1107 = arith.andi %ne3A_1103, %ne3A_1106 : i1
        %sub3A_1108 = arith.constant 1 : i32
        %sub3A_1109 = arith.subi %div3A_1088, %sub3A_1108 : i32
        %select_n3A_1110 = arith.select %and3A_1107, %sub3A_1109, %div3A_1088 : i32
        %mul3A_1111 = arith.constant 128 : i32
        %mul3A_1112 = arith.muli %select_n3A_1110, %mul3A_1111 : i32
        %multiple_of3A_1113 = tpu.assume_multiple %mul3A_1112, 128 : i32
        %dma_start3A_1114 = arith.constant 1 : i32
        %dma_start3A_1115 = arith.constant 0 : i32
        %dma_start3A_1116 = arith.constant 0 : i32
        %dma_start3A_1117 = tpu.memref_slice %arg11[%dma_start3A_1114, %dma_start3A_1115, %dma_start3A_1116] : memref<4x32x128xf32, #tpu.memory_space<vmem>> -> memref<1x32x128xf32, #tpu.memory_space<vmem>>
        %dma_start3A_1118 = tpu.memref_squeeze %dma_start3A_1117 : memref<1x32x128xf32, #tpu.memory_space<vmem>> -> memref<32x128xf32, #tpu.memory_space<vmem>>
        %dma_start3A_1119 = arith.constant 0 : i32
        %dma_start3A_1120 = tpu.memref_slice %arg5[%dma_start3A_1119, %multiple_of3A_1113] : memref<32x1000000xf32, #tpu.memory_space<hbm>> -> memref<32x128xf32, #tpu.memory_space<hbm>>
        %dma_start3A_1121 = arith.constant 0 : i32
        %dma_start3A_1122 = arith.constant 0 : i32
        %dma_start3A_1123 = tpu.memref_slice %arg11[%dma_start3A_1114, %dma_start3A_1121, %dma_start3A_1122] : memref<4x32x128xf32, #tpu.memory_space<vmem>> -> memref<1x32x128xf32, #tpu.memory_space<vmem>>
        %dma_start3A_1124 = tpu.memref_squeeze %dma_start3A_1123 : memref<1x32x128xf32, #tpu.memory_space<vmem>> -> memref<32x128xf32, #tpu.memory_space<vmem>>
        %dma_start3A_1125 = arith.constant 0 : i32
        %dma_start3A_1126 = tpu.memref_slice %arg5[%dma_start3A_1125, %multiple_of3A_1113] : memref<32x1000000xf32, #tpu.memory_space<hbm>> -> memref<32x128xf32, #tpu.memory_space<hbm>>
        tpu.enqueue_dma source(%dma_start3A_1126 : memref<32x128xf32, #tpu.memory_space<hbm>>) target(%dma_start3A_1124 : memref<32x128xf32, #tpu.memory_space<vmem>>) target_semaphore(%arg19 : memref<!tpu.dma_semaphore, #tpu.memory_space<semaphore_mem>>)
      } else {
      }
      %mul3A_695 = arith.constant 4 : i32
      %mul3A_696 = arith.muli %scan3A_429, %mul3A_695 : i32
      %add3A_697 = arith.constant 2 : i32
      %add3A_698 = arith.addi %mul3A_696, %add3A_697 : i32
      %dma_wait3A_699 = arith.constant 2 : i32
      %dma_wait3A_700 = arith.constant 0 : i32
      %dma_wait3A_701 = arith.constant 0 : i32
      %dma_wait3A_702 = tpu.memref_slice %arg10[%dma_wait3A_699, %dma_wait3A_700, %dma_wait3A_701] : memref<4x32x128xf32, #tpu.memory_space<vmem>> -> memref<1x32x128xf32, #tpu.memory_space<vmem>>
      %dma_wait3A_703 = tpu.memref_squeeze %dma_wait3A_702 : memref<1x32x128xf32, #tpu.memory_space<vmem>> -> memref<32x128xf32, #tpu.memory_space<vmem>>
      %dma_wait3A_704 = arith.constant 0 : i32
      %dma_wait3A_705 = arith.constant 0 : i32
      %dma_wait3A_706 = tpu.memref_slice %arg4[%dma_wait3A_704, %dma_wait3A_705] : memref<32x1000000xf32, #tpu.memory_space<hbm>> -> memref<32x128xf32, #tpu.memory_space<hbm>>
      %dma_wait3A_707 = arith.constant 0 : i32
      %dma_wait3A_708 = arith.constant 0 : i32
      %dma_wait3A_709 = tpu.memref_slice %arg10[%dma_wait3A_699, %dma_wait3A_707, %dma_wait3A_708] : memref<4x32x128xf32, #tpu.memory_space<vmem>> -> memref<1x32x128xf32, #tpu.memory_space<vmem>>
      %dma_wait3A_710 = tpu.memref_squeeze %dma_wait3A_709 : memref<1x32x128xf32, #tpu.memory_space<vmem>> -> memref<32x128xf32, #tpu.memory_space<vmem>>
      %dma_wait3A_711 = arith.constant 0 : i32
      %dma_wait3A_712 = arith.constant 0 : i32
      %dma_wait3A_713 = tpu.memref_slice %arg4[%dma_wait3A_711, %dma_wait3A_712] : memref<32x1000000xf32, #tpu.memory_space<hbm>> -> memref<32x128xf32, #tpu.memory_space<hbm>>
      tpu.wait_dma2 semaphore(%arg16 : memref<!tpu.dma_semaphore, #tpu.memory_space<semaphore_mem>>) src(%dma_wait3A_713 : memref<32x128xf32, #tpu.memory_space<hbm>>) dst(%dma_wait3A_710 : memref<32x128xf32, #tpu.memory_space<vmem>>)
      %jit3A_714 = arith.constant 16 : i32
      %div3A_715 = arith.divsi %add3A_698, %jit3A_714 : i32
      %sign3A_716 = arith.constant 0 : i32
      %sign3A_717 = arith.cmpi sgt, %add3A_698, %sign3A_716 : i32
      %sign3A_718 = arith.extui %sign3A_717 : i1 to i32
      %sign3A_719 = arith.constant 0 : i32
      %sign3A_720 = arith.cmpi slt, %add3A_698, %sign3A_719 : i32
      %sign3A_721 = arith.extui %sign3A_720 : i1 to i32
      %sign3A_722 = arith.subi %sign3A_718, %sign3A_721 : i32
      %sign3A_723 = arith.constant 0 : i32
      %sign3A_724 = arith.cmpi sgt, %jit3A_714, %sign3A_723 : i32
      %sign3A_725 = arith.extui %sign3A_724 : i1 to i32
      %sign3A_726 = arith.constant 0 : i32
      %sign3A_727 = arith.cmpi slt, %jit3A_714, %sign3A_726 : i32
      %sign3A_728 = arith.extui %sign3A_727 : i1 to i32
      %sign3A_729 = arith.subi %sign3A_725, %sign3A_728 : i32
      %ne3A_730 = arith.cmpi ne, %sign3A_722, %sign3A_729 : i32
      %rem3A_731 = arith.remsi %add3A_698, %jit3A_714 : i32
      %ne3A_732 = arith.constant 0 : i32
      %ne3A_733 = arith.cmpi ne, %rem3A_731, %ne3A_732 : i32
      %and3A_734 = arith.andi %ne3A_730, %ne3A_733 : i1
      %sub3A_735 = arith.constant 1 : i32
      %sub3A_736 = arith.subi %div3A_715, %sub3A_735 : i32
      %select_n3A_737 = arith.select %and3A_734, %sub3A_736, %div3A_715 : i32
      %mul3A_738 = arith.constant 16 : i32
      %mul3A_739 = arith.muli %select_n3A_737, %mul3A_738 : i32
      %get3A_740 = arith.index_cast %mul3A_739 : i32 to index
      %get3A_741 = tpu.vector_load %arg8[%get3A_740] {strides = array<i32>} : memref<128xi32, #tpu.memory_space<vmem>>, vector<16xi32>,
      %rem3A_742 = arith.constant 16 : i32
      %rem3A_743 = arith.remsi %add3A_698, %rem3A_742 : i32
      %eq3A_744 = vector.broadcast %rem3A_743 : i32 to vector<16xi32>
      %eq3A_745 = arith.cmpi eq, %iota3A, %eq3A_744 : vector<16xi32>
      %jit3A_746 = arith.constant 0 : i32
      %broadcast_in_dim3A_747 = vector.broadcast %jit3A_746 : i32 to vector<16xi32>
      %select_n3A_748 = arith.select %eq3A_745, %get3A_741, %broadcast_in_dim3A_747 : vector<16xi1>, vector<16xi32>
      %reduce_sum3A_749 = arith.constant true
      %reduce_sum3A_750 = vector.broadcast %reduce_sum3A_749 : i1 to vector<16xi1>
      %reduce_sum3A_751 = tpu.scan <sum>, %select_n3A_748 masked %reduce_sum3A_750 : vector<16xi32>, vector<16xi1> -> vector<16xi32>
      %reduce_sum3A_752 = vector.extract %reduce_sum3A_751[15] : i32 from vector<16xi32>
      %rem3A_753 = arith.constant 128 : i32
      %rem3A_754 = arith.remsi %reduce_sum3A_752, %rem3A_753 : i32
      %broadcast_in_dim3A_755 = arith.constant 2 : i32
      %broadcast_in_dim3A_756 = vector.broadcast %broadcast_in_dim3A_755 : i32 to vector<16xi32>
      %broadcast_in_dim3A_757 = vector.broadcast %rem3A_754 : i32 to vector<16xi32>
      %broadcast_in_dim3A_758 = vector.broadcast %add3A_698 : i32 to vector<16xi32>
      %gather3A_759 = tpu.vector_load_idx %arg10[%broadcast_in_dim3A_756, %iota3A, %broadcast_in_dim3A_757] : memref<4x32x128xf32, #tpu.memory_space<vmem>>[vector<16xi32>, vector<16xi32>, vector<16xi32>], vector<16xf32>,
      %gather3A_760 = tpu.vector_load_idx %arg10[%broadcast_in_dim3A_756, %add3A_5, %broadcast_in_dim3A_757] : memref<4x32x128xf32, #tpu.memory_space<vmem>>[vector<16xi32>, vector<16xi32>, vector<16xi32>], vector<16xf32>,
      tpu.vector_store_idx %arg12[%iota3A, %broadcast_in_dim3A_758], %gather3A_759 : memref<32x128xf32, #tpu.memory_space<vmem>>[vector<16xi32>, vector<16xi32>], vector<16xf32>,
      tpu.vector_store_idx %arg12[%add3A_5, %broadcast_in_dim3A_758], %gather3A_760 : memref<32x128xf32, #tpu.memory_space<vmem>>[vector<16xi32>, vector<16xi32>], vector<16xf32>,
      %dma_wait3A_761 = arith.constant 2 : i32
      %dma_wait3A_762 = arith.constant 0 : i32
      %dma_wait3A_763 = arith.constant 0 : i32
      %dma_wait3A_764 = tpu.memref_slice %arg11[%dma_wait3A_761, %dma_wait3A_762, %dma_wait3A_763] : memref<4x32x128xf32, #tpu.memory_space<vmem>> -> memref<1x32x128xf32, #tpu.memory_space<vmem>>
      %dma_wait3A_765 = tpu.memref_squeeze %dma_wait3A_764 : memref<1x32x128xf32, #tpu.memory_space<vmem>> -> memref<32x128xf32, #tpu.memory_space<vmem>>
      %dma_wait3A_766 = arith.constant 0 : i32
      %dma_wait3A_767 = arith.constant 0 : i32
      %dma_wait3A_768 = tpu.memref_slice %arg5[%dma_wait3A_766, %dma_wait3A_767] : memref<32x1000000xf32, #tpu.memory_space<hbm>> -> memref<32x128xf32, #tpu.memory_space<hbm>>
      %dma_wait3A_769 = arith.constant 0 : i32
      %dma_wait3A_770 = arith.constant 0 : i32
      %dma_wait3A_771 = tpu.memref_slice %arg11[%dma_wait3A_761, %dma_wait3A_769, %dma_wait3A_770] : memref<4x32x128xf32, #tpu.memory_space<vmem>> -> memref<1x32x128xf32, #tpu.memory_space<vmem>>
      %dma_wait3A_772 = tpu.memref_squeeze %dma_wait3A_771 : memref<1x32x128xf32, #tpu.memory_space<vmem>> -> memref<32x128xf32, #tpu.memory_space<vmem>>
      %dma_wait3A_773 = arith.constant 0 : i32
      %dma_wait3A_774 = arith.constant 0 : i32
      %dma_wait3A_775 = tpu.memref_slice %arg5[%dma_wait3A_773, %dma_wait3A_774] : memref<32x1000000xf32, #tpu.memory_space<hbm>> -> memref<32x128xf32, #tpu.memory_space<hbm>>
      tpu.wait_dma2 semaphore(%arg20 : memref<!tpu.dma_semaphore, #tpu.memory_space<semaphore_mem>>) src(%dma_wait3A_775 : memref<32x128xf32, #tpu.memory_space<hbm>>) dst(%dma_wait3A_772 : memref<32x128xf32, #tpu.memory_space<vmem>>)
      %jit3A_776 = arith.constant 16 : i32
      %div3A_777 = arith.divsi %add3A_698, %jit3A_776 : i32
      %sign3A_778 = arith.constant 0 : i32
      %sign3A_779 = arith.cmpi sgt, %add3A_698, %sign3A_778 : i32
      %sign3A_780 = arith.extui %sign3A_779 : i1 to i32
      %sign3A_781 = arith.constant 0 : i32
      %sign3A_782 = arith.cmpi slt, %add3A_698, %sign3A_781 : i32
      %sign3A_783 = arith.extui %sign3A_782 : i1 to i32
      %sign3A_784 = arith.subi %sign3A_780, %sign3A_783 : i32
      %sign3A_785 = arith.constant 0 : i32
      %sign3A_786 = arith.cmpi sgt, %jit3A_776, %sign3A_785 : i32
      %sign3A_787 = arith.extui %sign3A_786 : i1 to i32
      %sign3A_788 = arith.constant 0 : i32
      %sign3A_789 = arith.cmpi slt, %jit3A_776, %sign3A_788 : i32
      %sign3A_790 = arith.extui %sign3A_789 : i1 to i32
      %sign3A_791 = arith.subi %sign3A_787, %sign3A_790 : i32
      %ne3A_792 = arith.cmpi ne, %sign3A_784, %sign3A_791 : i32
      %rem3A_793 = arith.remsi %add3A_698, %jit3A_776 : i32
      %ne3A_794 = arith.constant 0 : i32
      %ne3A_795 = arith.cmpi ne, %rem3A_793, %ne3A_794 : i32
      %and3A_796 = arith.andi %ne3A_792, %ne3A_795 : i1
      %sub3A_797 = arith.constant 1 : i32
      %sub3A_798 = arith.subi %div3A_777, %sub3A_797 : i32
      %select_n3A_799 = arith.select %and3A_796, %sub3A_798, %div3A_777 : i32
      %mul3A_800 = arith.constant 16 : i32
      %mul3A_801 = arith.muli %select_n3A_799, %mul3A_800 : i32
      %get3A_802 = arith.index_cast %mul3A_801 : i32 to index
      %get3A_803 = tpu.vector_load %arg9[%get3A_802] {strides = array<i32>} : memref<128xi32, #tpu.memory_space<vmem>>, vector<16xi32>,
      %rem3A_804 = arith.constant 16 : i32
      %rem3A_805 = arith.remsi %add3A_698, %rem3A_804 : i32
      %eq3A_806 = vector.broadcast %rem3A_805 : i32 to vector<16xi32>
      %eq3A_807 = arith.cmpi eq, %iota3A, %eq3A_806 : vector<16xi32>
      %jit3A_808 = arith.constant 0 : i32
      %broadcast_in_dim3A_809 = vector.broadcast %jit3A_808 : i32 to vector<16xi32>
      %select_n3A_810 = arith.select %eq3A_807, %get3A_803, %broadcast_in_dim3A_809 : vector<16xi1>, vector<16xi32>
      %reduce_sum3A_811 = arith.constant true
      %reduce_sum3A_812 = vector.broadcast %reduce_sum3A_811 : i1 to vector<16xi1>
      %reduce_sum3A_813 = tpu.scan <sum>, %select_n3A_810 masked %reduce_sum3A_812 : vector<16xi32>, vector<16xi1> -> vector<16xi32>
      %reduce_sum3A_814 = vector.extract %reduce_sum3A_813[15] : i32 from vector<16xi32>
      %rem3A_815 = arith.constant 128 : i32
      %rem3A_816 = arith.remsi %reduce_sum3A_814, %rem3A_815 : i32
      %broadcast_in_dim3A_817 = arith.constant 2 : i32
      %broadcast_in_dim3A_818 = vector.broadcast %broadcast_in_dim3A_817 : i32 to vector<16xi32>
      %broadcast_in_dim3A_819 = vector.broadcast %rem3A_816 : i32 to vector<16xi32>
      %broadcast_in_dim3A_820 = vector.broadcast %add3A_698 : i32 to vector<16xi32>
      %gather3A_821 = tpu.vector_load_idx %arg11[%broadcast_in_dim3A_818, %iota3A, %broadcast_in_dim3A_819] : memref<4x32x128xf32, #tpu.memory_space<vmem>>[vector<16xi32>, vector<16xi32>, vector<16xi32>], vector<16xf32>,
      %gather3A_822 = tpu.vector_load_idx %arg11[%broadcast_in_dim3A_818, %add3A_5, %broadcast_in_dim3A_819] : memref<4x32x128xf32, #tpu.memory_space<vmem>>[vector<16xi32>, vector<16xi32>, vector<16xi32>], vector<16xf32>,
      tpu.vector_store_idx %arg13[%iota3A, %broadcast_in_dim3A_820], %gather3A_821 : memref<32x128xf32, #tpu.memory_space<vmem>>[vector<16xi32>, vector<16xi32>], vector<16xf32>,
      tpu.vector_store_idx %arg13[%add3A_5, %broadcast_in_dim3A_820], %gather3A_822 : memref<32x128xf32, #tpu.memory_space<vmem>>[vector<16xi32>, vector<16xi32>], vector<16xf32>,
      %add3A_823 = arith.constant 4 : i32
      %add3A_824 = arith.addi %add3A_698, %add3A_823 : i32
      %lt3A_825 = arith.constant 128 : i32
      %lt3A_826 = arith.cmpi slt, %add3A_824, %lt3A_825 : i32
      %convert_element_type3A_827 = arith.extui %lt3A_826 : i1 to i32
      %cond3A_828 = arith.constant 0 : i32
      %cond3A_829 = arith.cmpi ne, %convert_element_type3A_827, %cond3A_828 : i32
      scf.if %cond3A_829 {
        %add3A_965 = arith.constant 4 : i32
        %add3A_966 = arith.addi %add3A_698, %add3A_965 : i32
        %jit3A_967 = arith.constant 16 : i32
        %div3A_968 = arith.divsi %add3A_966, %jit3A_967 : i32
        %sign3A_969 = arith.constant 0 : i32
        %sign3A_970 = arith.cmpi sgt, %add3A_966, %sign3A_969 : i32
        %sign3A_971 = arith.extui %sign3A_970 : i1 to i32
        %sign3A_972 = arith.constant 0 : i32
        %sign3A_973 = arith.cmpi slt, %add3A_966, %sign3A_972 : i32
        %sign3A_974 = arith.extui %sign3A_973 : i1 to i32
        %sign3A_975 = arith.subi %sign3A_971, %sign3A_974 : i32
        %sign3A_976 = arith.constant 0 : i32
        %sign3A_977 = arith.cmpi sgt, %jit3A_967, %sign3A_976 : i32
        %sign3A_978 = arith.extui %sign3A_977 : i1 to i32
        %sign3A_979 = arith.constant 0 : i32
        %sign3A_980 = arith.cmpi slt, %jit3A_967, %sign3A_979 : i32
        %sign3A_981 = arith.extui %sign3A_980 : i1 to i32
        %sign3A_982 = arith.subi %sign3A_978, %sign3A_981 : i32
        %ne3A_983 = arith.cmpi ne, %sign3A_975, %sign3A_982 : i32
        %rem3A_984 = arith.remsi %add3A_966, %jit3A_967 : i32
        %ne3A_985 = arith.constant 0 : i32
        %ne3A_986 = arith.cmpi ne, %rem3A_984, %ne3A_985 : i32
        %and3A_987 = arith.andi %ne3A_983, %ne3A_986 : i1
        %sub3A_988 = arith.constant 1 : i32
        %sub3A_989 = arith.subi %div3A_968, %sub3A_988 : i32
        %select_n3A_990 = arith.select %and3A_987, %sub3A_989, %div3A_968 : i32
        %mul3A_991 = arith.constant 16 : i32
        %mul3A_992 = arith.muli %select_n3A_990, %mul3A_991 : i32
        %get3A_993 = arith.index_cast %mul3A_992 : i32 to index
        %get3A_994 = tpu.vector_load %arg8[%get3A_993] {strides = array<i32>} : memref<128xi32, #tpu.memory_space<vmem>>, vector<16xi32>,
        %rem3A_995 = arith.constant 16 : i32
        %rem3A_996 = arith.remsi %add3A_966, %rem3A_995 : i32
        %eq3A_997 = vector.broadcast %rem3A_996 : i32 to vector<16xi32>
        %eq3A_998 = arith.cmpi eq, %iota3A, %eq3A_997 : vector<16xi32>
        %jit3A_999 = arith.constant 0 : i32
        %broadcast_in_dim3A_1000 = vector.broadcast %jit3A_999 : i32 to vector<16xi32>
        %select_n3A_1001 = arith.select %eq3A_998, %get3A_994, %broadcast_in_dim3A_1000 : vector<16xi1>, vector<16xi32>
        %reduce_sum3A_1002 = arith.constant true
        %reduce_sum3A_1003 = vector.broadcast %reduce_sum3A_1002 : i1 to vector<16xi1>
        %reduce_sum3A_1004 = tpu.scan <sum>, %select_n3A_1001 masked %reduce_sum3A_1003 : vector<16xi32>, vector<16xi1> -> vector<16xi32>
        %reduce_sum3A_1005 = vector.extract %reduce_sum3A_1004[15] : i32 from vector<16xi32>
        %jit3A_1006 = arith.constant 128 : i32
        %div3A_1007 = arith.divsi %reduce_sum3A_1005, %jit3A_1006 : i32
        %sign3A_1008 = arith.constant 0 : i32
        %sign3A_1009 = arith.cmpi sgt, %reduce_sum3A_1005, %sign3A_1008 : i32
        %sign3A_1010 = arith.extui %sign3A_1009 : i1 to i32
        %sign3A_1011 = arith.constant 0 : i32
        %sign3A_1012 = arith.cmpi slt, %reduce_sum3A_1005, %sign3A_1011 : i32
        %sign3A_1013 = arith.extui %sign3A_1012 : i1 to i32
        %sign3A_1014 = arith.subi %sign3A_1010, %sign3A_1013 : i32
        %sign3A_1015 = arith.constant 0 : i32
        %sign3A_1016 = arith.cmpi sgt, %jit3A_1006, %sign3A_1015 : i32
        %sign3A_1017 = arith.extui %sign3A_1016 : i1 to i32
        %sign3A_1018 = arith.constant 0 : i32
        %sign3A_1019 = arith.cmpi slt, %jit3A_1006, %sign3A_1018 : i32
        %sign3A_1020 = arith.extui %sign3A_1019 : i1 to i32
        %sign3A_1021 = arith.subi %sign3A_1017, %sign3A_1020 : i32
        %ne3A_1022 = arith.cmpi ne, %sign3A_1014, %sign3A_1021 : i32
        %rem3A_1023 = arith.remsi %reduce_sum3A_1005, %jit3A_1006 : i32
        %ne3A_1024 = arith.constant 0 : i32
        %ne3A_1025 = arith.cmpi ne, %rem3A_1023, %ne3A_1024 : i32
        %and3A_1026 = arith.andi %ne3A_1022, %ne3A_1025 : i1
        %sub3A_1027 = arith.constant 1 : i32
        %sub3A_1028 = arith.subi %div3A_1007, %sub3A_1027 : i32
        %select_n3A_1029 = arith.select %and3A_1026, %sub3A_1028, %div3A_1007 : i32
        %mul3A_1030 = arith.constant 128 : i32
        %mul3A_1031 = arith.muli %select_n3A_1029, %mul3A_1030 : i32
        %multiple_of3A_1032 = tpu.assume_multiple %mul3A_1031, 128 : i32
        %dma_start3A_1033 = arith.constant 2 : i32
        %dma_start3A_1034 = arith.constant 0 : i32
        %dma_start3A_1035 = arith.constant 0 : i32
        %dma_start3A_1036 = tpu.memref_slice %arg10[%dma_start3A_1033, %dma_start3A_1034, %dma_start3A_1035] : memref<4x32x128xf32, #tpu.memory_space<vmem>> -> memref<1x32x128xf32, #tpu.memory_space<vmem>>
        %dma_start3A_1037 = tpu.memref_squeeze %dma_start3A_1036 : memref<1x32x128xf32, #tpu.memory_space<vmem>> -> memref<32x128xf32, #tpu.memory_space<vmem>>
        %dma_start3A_1038 = arith.constant 0 : i32
        %dma_start3A_1039 = tpu.memref_slice %arg4[%dma_start3A_1038, %multiple_of3A_1032] : memref<32x1000000xf32, #tpu.memory_space<hbm>> -> memref<32x128xf32, #tpu.memory_space<hbm>>
        %dma_start3A_1040 = arith.constant 0 : i32
        %dma_start3A_1041 = arith.constant 0 : i32
        %dma_start3A_1042 = tpu.memref_slice %arg10[%dma_start3A_1033, %dma_start3A_1040, %dma_start3A_1041] : memref<4x32x128xf32, #tpu.memory_space<vmem>> -> memref<1x32x128xf32, #tpu.memory_space<vmem>>
        %dma_start3A_1043 = tpu.memref_squeeze %dma_start3A_1042 : memref<1x32x128xf32, #tpu.memory_space<vmem>> -> memref<32x128xf32, #tpu.memory_space<vmem>>
        %dma_start3A_1044 = arith.constant 0 : i32
        %dma_start3A_1045 = tpu.memref_slice %arg4[%dma_start3A_1044, %multiple_of3A_1032] : memref<32x1000000xf32, #tpu.memory_space<hbm>> -> memref<32x128xf32, #tpu.memory_space<hbm>>
        tpu.enqueue_dma source(%dma_start3A_1045 : memref<32x128xf32, #tpu.memory_space<hbm>>) target(%dma_start3A_1043 : memref<32x128xf32, #tpu.memory_space<vmem>>) target_semaphore(%arg16 : memref<!tpu.dma_semaphore, #tpu.memory_space<semaphore_mem>>)
        %add3A_1046 = arith.constant 4 : i32
        %add3A_1047 = arith.addi %add3A_698, %add3A_1046 : i32
        %jit3A_1048 = arith.constant 16 : i32
        %div3A_1049 = arith.divsi %add3A_1047, %jit3A_1048 : i32
        %sign3A_1050 = arith.constant 0 : i32
        %sign3A_1051 = arith.cmpi sgt, %add3A_1047, %sign3A_1050 : i32
        %sign3A_1052 = arith.extui %sign3A_1051 : i1 to i32
        %sign3A_1053 = arith.constant 0 : i32
        %sign3A_1054 = arith.cmpi slt, %add3A_1047, %sign3A_1053 : i32
        %sign3A_1055 = arith.extui %sign3A_1054 : i1 to i32
        %sign3A_1056 = arith.subi %sign3A_1052, %sign3A_1055 : i32
        %sign3A_1057 = arith.constant 0 : i32
        %sign3A_1058 = arith.cmpi sgt, %jit3A_1048, %sign3A_1057 : i32
        %sign3A_1059 = arith.extui %sign3A_1058 : i1 to i32
        %sign3A_1060 = arith.constant 0 : i32
        %sign3A_1061 = arith.cmpi slt, %jit3A_1048, %sign3A_1060 : i32
        %sign3A_1062 = arith.extui %sign3A_1061 : i1 to i32
        %sign3A_1063 = arith.subi %sign3A_1059, %sign3A_1062 : i32
        %ne3A_1064 = arith.cmpi ne, %sign3A_1056, %sign3A_1063 : i32
        %rem3A_1065 = arith.remsi %add3A_1047, %jit3A_1048 : i32
        %ne3A_1066 = arith.constant 0 : i32
        %ne3A_1067 = arith.cmpi ne, %rem3A_1065, %ne3A_1066 : i32
        %and3A_1068 = arith.andi %ne3A_1064, %ne3A_1067 : i1
        %sub3A_1069 = arith.constant 1 : i32
        %sub3A_1070 = arith.subi %div3A_1049, %sub3A_1069 : i32
        %select_n3A_1071 = arith.select %and3A_1068, %sub3A_1070, %div3A_1049 : i32
        %mul3A_1072 = arith.constant 16 : i32
        %mul3A_1073 = arith.muli %select_n3A_1071, %mul3A_1072 : i32
        %get3A_1074 = arith.index_cast %mul3A_1073 : i32 to index
        %get3A_1075 = tpu.vector_load %arg9[%get3A_1074] {strides = array<i32>} : memref<128xi32, #tpu.memory_space<vmem>>, vector<16xi32>,
        %rem3A_1076 = arith.constant 16 : i32
        %rem3A_1077 = arith.remsi %add3A_1047, %rem3A_1076 : i32
        %eq3A_1078 = vector.broadcast %rem3A_1077 : i32 to vector<16xi32>
        %eq3A_1079 = arith.cmpi eq, %iota3A, %eq3A_1078 : vector<16xi32>
        %jit3A_1080 = arith.constant 0 : i32
        %broadcast_in_dim3A_1081 = vector.broadcast %jit3A_1080 : i32 to vector<16xi32>
        %select_n3A_1082 = arith.select %eq3A_1079, %get3A_1075, %broadcast_in_dim3A_1081 : vector<16xi1>, vector<16xi32>
        %reduce_sum3A_1083 = arith.constant true
        %reduce_sum3A_1084 = vector.broadcast %reduce_sum3A_1083 : i1 to vector<16xi1>
        %reduce_sum3A_1085 = tpu.scan <sum>, %select_n3A_1082 masked %reduce_sum3A_1084 : vector<16xi32>, vector<16xi1> -> vector<16xi32>
        %reduce_sum3A_1086 = vector.extract %reduce_sum3A_1085[15] : i32 from vector<16xi32>
        %jit3A_1087 = arith.constant 128 : i32
        %div3A_1088 = arith.divsi %reduce_sum3A_1086, %jit3A_1087 : i32
        %sign3A_1089 = arith.constant 0 : i32
        %sign3A_1090 = arith.cmpi sgt, %reduce_sum3A_1086, %sign3A_1089 : i32
        %sign3A_1091 = arith.extui %sign3A_1090 : i1 to i32
        %sign3A_1092 = arith.constant 0 : i32
        %sign3A_1093 = arith.cmpi slt, %reduce_sum3A_1086, %sign3A_1092 : i32
        %sign3A_1094 = arith.extui %sign3A_1093 : i1 to i32
        %sign3A_1095 = arith.subi %sign3A_1091, %sign3A_1094 : i32
        %sign3A_1096 = arith.constant 0 : i32
        %sign3A_1097 = arith.cmpi sgt, %jit3A_1087, %sign3A_1096 : i32
        %sign3A_1098 = arith.extui %sign3A_1097 : i1 to i32
        %sign3A_1099 = arith.constant 0 : i32
        %sign3A_1100 = arith.cmpi slt, %jit3A_1087, %sign3A_1099 : i32
        %sign3A_1101 = arith.extui %sign3A_1100 : i1 to i32
        %sign3A_1102 = arith.subi %sign3A_1098, %sign3A_1101 : i32
        %ne3A_1103 = arith.cmpi ne, %sign3A_1095, %sign3A_1102 : i32
        %rem3A_1104 = arith.remsi %reduce_sum3A_1086, %jit3A_1087 : i32
        %ne3A_1105 = arith.constant 0 : i32
        %ne3A_1106 = arith.cmpi ne, %rem3A_1104, %ne3A_1105 : i32
        %and3A_1107 = arith.andi %ne3A_1103, %ne3A_1106 : i1
        %sub3A_1108 = arith.constant 1 : i32
        %sub3A_1109 = arith.subi %div3A_1088, %sub3A_1108 : i32
        %select_n3A_1110 = arith.select %and3A_1107, %sub3A_1109, %div3A_1088 : i32
        %mul3A_1111 = arith.constant 128 : i32
        %mul3A_1112 = arith.muli %select_n3A_1110, %mul3A_1111 : i32
        %multiple_of3A_1113 = tpu.assume_multiple %mul3A_1112, 128 : i32
        %dma_start3A_1114 = arith.constant 2 : i32
        %dma_start3A_1115 = arith.constant 0 : i32
        %dma_start3A_1116 = arith.constant 0 : i32
        %dma_start3A_1117 = tpu.memref_slice %arg11[%dma_start3A_1114, %dma_start3A_1115, %dma_start3A_1116] : memref<4x32x128xf32, #tpu.memory_space<vmem>> -> memref<1x32x128xf32, #tpu.memory_space<vmem>>
        %dma_start3A_1118 = tpu.memref_squeeze %dma_start3A_1117 : memref<1x32x128xf32, #tpu.memory_space<vmem>> -> memref<32x128xf32, #tpu.memory_space<vmem>>
        %dma_start3A_1119 = arith.constant 0 : i32
        %dma_start3A_1120 = tpu.memref_slice %arg5[%dma_start3A_1119, %multiple_of3A_1113] : memref<32x1000000xf32, #tpu.memory_space<hbm>> -> memref<32x128xf32, #tpu.memory_space<hbm>>
        %dma_start3A_1121 = arith.constant 0 : i32
        %dma_start3A_1122 = arith.constant 0 : i32
        %dma_start3A_1123 = tpu.memref_slice %arg11[%dma_start3A_1114, %dma_start3A_1121, %dma_start3A_1122] : memref<4x32x128xf32, #tpu.memory_space<vmem>> -> memref<1x32x128xf32, #tpu.memory_space<vmem>>
        %dma_start3A_1124 = tpu.memref_squeeze %dma_start3A_1123 : memref<1x32x128xf32, #tpu.memory_space<vmem>> -> memref<32x128xf32, #tpu.memory_space<vmem>>
        %dma_start3A_1125 = arith.constant 0 : i32
        %dma_start3A_1126 = tpu.memref_slice %arg5[%dma_start3A_1125, %multiple_of3A_1113] : memref<32x1000000xf32, #tpu.memory_space<hbm>> -> memref<32x128xf32, #tpu.memory_space<hbm>>
        tpu.enqueue_dma source(%dma_start3A_1126 : memref<32x128xf32, #tpu.memory_space<hbm>>) target(%dma_start3A_1124 : memref<32x128xf32, #tpu.memory_space<vmem>>) target_semaphore(%arg20 : memref<!tpu.dma_semaphore, #tpu.memory_space<semaphore_mem>>)
      } else {
      }
      %mul3A_830 = arith.constant 4 : i32
      %mul3A_831 = arith.muli %scan3A_429, %mul3A_830 : i32
      %add3A_832 = arith.constant 3 : i32
      %add3A_833 = arith.addi %mul3A_831, %add3A_832 : i32
      %dma_wait3A_834 = arith.constant 3 : i32
      %dma_wait3A_835 = arith.constant 0 : i32
      %dma_wait3A_836 = arith.constant 0 : i32
      %dma_wait3A_837 = tpu.memref_slice %arg10[%dma_wait3A_834, %dma_wait3A_835, %dma_wait3A_836] : memref<4x32x128xf32, #tpu.memory_space<vmem>> -> memref<1x32x128xf32, #tpu.memory_space<vmem>>
      %dma_wait3A_838 = tpu.memref_squeeze %dma_wait3A_837 : memref<1x32x128xf32, #tpu.memory_space<vmem>> -> memref<32x128xf32, #tpu.memory_space<vmem>>
      %dma_wait3A_839 = arith.constant 0 : i32
      %dma_wait3A_840 = arith.constant 0 : i32
      %dma_wait3A_841 = tpu.memref_slice %arg4[%dma_wait3A_839, %dma_wait3A_840] : memref<32x1000000xf32, #tpu.memory_space<hbm>> -> memref<32x128xf32, #tpu.memory_space<hbm>>
      %dma_wait3A_842 = arith.constant 0 : i32
      %dma_wait3A_843 = arith.constant 0 : i32
      %dma_wait3A_844 = tpu.memref_slice %arg10[%dma_wait3A_834, %dma_wait3A_842, %dma_wait3A_843] : memref<4x32x128xf32, #tpu.memory_space<vmem>> -> memref<1x32x128xf32, #tpu.memory_space<vmem>>
      %dma_wait3A_845 = tpu.memref_squeeze %dma_wait3A_844 : memref<1x32x128xf32, #tpu.memory_space<vmem>> -> memref<32x128xf32, #tpu.memory_space<vmem>>
      %dma_wait3A_846 = arith.constant 0 : i32
      %dma_wait3A_847 = arith.constant 0 : i32
      %dma_wait3A_848 = tpu.memref_slice %arg4[%dma_wait3A_846, %dma_wait3A_847] : memref<32x1000000xf32, #tpu.memory_space<hbm>> -> memref<32x128xf32, #tpu.memory_space<hbm>>
      tpu.wait_dma2 semaphore(%arg17 : memref<!tpu.dma_semaphore, #tpu.memory_space<semaphore_mem>>) src(%dma_wait3A_848 : memref<32x128xf32, #tpu.memory_space<hbm>>) dst(%dma_wait3A_845 : memref<32x128xf32, #tpu.memory_space<vmem>>)
      %jit3A_849 = arith.constant 16 : i32
      %div3A_850 = arith.divsi %add3A_833, %jit3A_849 : i32
      %sign3A_851 = arith.constant 0 : i32
      %sign3A_852 = arith.cmpi sgt, %add3A_833, %sign3A_851 : i32
      %sign3A_853 = arith.extui %sign3A_852 : i1 to i32
      %sign3A_854 = arith.constant 0 : i32
      %sign3A_855 = arith.cmpi slt, %add3A_833, %sign3A_854 : i32
      %sign3A_856 = arith.extui %sign3A_855 : i1 to i32
      %sign3A_857 = arith.subi %sign3A_853, %sign3A_856 : i32
      %sign3A_858 = arith.constant 0 : i32
      %sign3A_859 = arith.cmpi sgt, %jit3A_849, %sign3A_858 : i32
      %sign3A_860 = arith.extui %sign3A_859 : i1 to i32
      %sign3A_861 = arith.constant 0 : i32
      %sign3A_862 = arith.cmpi slt, %jit3A_849, %sign3A_861 : i32
      %sign3A_863 = arith.extui %sign3A_862 : i1 to i32
      %sign3A_864 = arith.subi %sign3A_860, %sign3A_863 : i32
      %ne3A_865 = arith.cmpi ne, %sign3A_857, %sign3A_864 : i32
      %rem3A_866 = arith.remsi %add3A_833, %jit3A_849 : i32
      %ne3A_867 = arith.constant 0 : i32
      %ne3A_868 = arith.cmpi ne, %rem3A_866, %ne3A_867 : i32
      %and3A_869 = arith.andi %ne3A_865, %ne3A_868 : i1
      %sub3A_870 = arith.constant 1 : i32
      %sub3A_871 = arith.subi %div3A_850, %sub3A_870 : i32
      %select_n3A_872 = arith.select %and3A_869, %sub3A_871, %div3A_850 : i32
      %mul3A_873 = arith.constant 16 : i32
      %mul3A_874 = arith.muli %select_n3A_872, %mul3A_873 : i32
      %get3A_875 = arith.index_cast %mul3A_874 : i32 to index
      %get3A_876 = tpu.vector_load %arg8[%get3A_875] {strides = array<i32>} : memref<128xi32, #tpu.memory_space<vmem>>, vector<16xi32>,
      %rem3A_877 = arith.constant 16 : i32
      %rem3A_878 = arith.remsi %add3A_833, %rem3A_877 : i32
      %eq3A_879 = vector.broadcast %rem3A_878 : i32 to vector<16xi32>
      %eq3A_880 = arith.cmpi eq, %iota3A, %eq3A_879 : vector<16xi32>
      %jit3A_881 = arith.constant 0 : i32
      %broadcast_in_dim3A_882 = vector.broadcast %jit3A_881 : i32 to vector<16xi32>
      %select_n3A_883 = arith.select %eq3A_880, %get3A_876, %broadcast_in_dim3A_882 : vector<16xi1>, vector<16xi32>
      %reduce_sum3A_884 = arith.constant true
      %reduce_sum3A_885 = vector.broadcast %reduce_sum3A_884 : i1 to vector<16xi1>
      %reduce_sum3A_886 = tpu.scan <sum>, %select_n3A_883 masked %reduce_sum3A_885 : vector<16xi32>, vector<16xi1> -> vector<16xi32>
      %reduce_sum3A_887 = vector.extract %reduce_sum3A_886[15] : i32 from vector<16xi32>
      %rem3A_888 = arith.constant 128 : i32
      %rem3A_889 = arith.remsi %reduce_sum3A_887, %rem3A_888 : i32
      %broadcast_in_dim3A_890 = arith.constant 3 : i32
      %broadcast_in_dim3A_891 = vector.broadcast %broadcast_in_dim3A_890 : i32 to vector<16xi32>
      %broadcast_in_dim3A_892 = vector.broadcast %rem3A_889 : i32 to vector<16xi32>
      %broadcast_in_dim3A_893 = vector.broadcast %add3A_833 : i32 to vector<16xi32>
      %gather3A_894 = tpu.vector_load_idx %arg10[%broadcast_in_dim3A_891, %iota3A, %broadcast_in_dim3A_892] : memref<4x32x128xf32, #tpu.memory_space<vmem>>[vector<16xi32>, vector<16xi32>, vector<16xi32>], vector<16xf32>,
      %gather3A_895 = tpu.vector_load_idx %arg10[%broadcast_in_dim3A_891, %add3A_5, %broadcast_in_dim3A_892] : memref<4x32x128xf32, #tpu.memory_space<vmem>>[vector<16xi32>, vector<16xi32>, vector<16xi32>], vector<16xf32>,
      tpu.vector_store_idx %arg12[%iota3A, %broadcast_in_dim3A_893], %gather3A_894 : memref<32x128xf32, #tpu.memory_space<vmem>>[vector<16xi32>, vector<16xi32>], vector<16xf32>,
      tpu.vector_store_idx %arg12[%add3A_5, %broadcast_in_dim3A_893], %gather3A_895 : memref<32x128xf32, #tpu.memory_space<vmem>>[vector<16xi32>, vector<16xi32>], vector<16xf32>,
      %dma_wait3A_896 = arith.constant 3 : i32
      %dma_wait3A_897 = arith.constant 0 : i32
      %dma_wait3A_898 = arith.constant 0 : i32
      %dma_wait3A_899 = tpu.memref_slice %arg11[%dma_wait3A_896, %dma_wait3A_897, %dma_wait3A_898] : memref<4x32x128xf32, #tpu.memory_space<vmem>> -> memref<1x32x128xf32, #tpu.memory_space<vmem>>
      %dma_wait3A_900 = tpu.memref_squeeze %dma_wait3A_899 : memref<1x32x128xf32, #tpu.memory_space<vmem>> -> memref<32x128xf32, #tpu.memory_space<vmem>>
      %dma_wait3A_901 = arith.constant 0 : i32
      %dma_wait3A_902 = arith.constant 0 : i32
      %dma_wait3A_903 = tpu.memref_slice %arg5[%dma_wait3A_901, %dma_wait3A_902] : memref<32x1000000xf32, #tpu.memory_space<hbm>> -> memref<32x128xf32, #tpu.memory_space<hbm>>
      %dma_wait3A_904 = arith.constant 0 : i32
      %dma_wait3A_905 = arith.constant 0 : i32
      %dma_wait3A_906 = tpu.memref_slice %arg11[%dma_wait3A_896, %dma_wait3A_904, %dma_wait3A_905] : memref<4x32x128xf32, #tpu.memory_space<vmem>> -> memref<1x32x128xf32, #tpu.memory_space<vmem>>
      %dma_wait3A_907 = tpu.memref_squeeze %dma_wait3A_906 : memref<1x32x128xf32, #tpu.memory_space<vmem>> -> memref<32x128xf32, #tpu.memory_space<vmem>>
      %dma_wait3A_908 = arith.constant 0 : i32
      %dma_wait3A_909 = arith.constant 0 : i32
      %dma_wait3A_910 = tpu.memref_slice %arg5[%dma_wait3A_908, %dma_wait3A_909] : memref<32x1000000xf32, #tpu.memory_space<hbm>> -> memref<32x128xf32, #tpu.memory_space<hbm>>
      tpu.wait_dma2 semaphore(%arg21 : memref<!tpu.dma_semaphore, #tpu.memory_space<semaphore_mem>>) src(%dma_wait3A_910 : memref<32x128xf32, #tpu.memory_space<hbm>>) dst(%dma_wait3A_907 : memref<32x128xf32, #tpu.memory_space<vmem>>)
      %jit3A_911 = arith.constant 16 : i32
      %div3A_912 = arith.divsi %add3A_833, %jit3A_911 : i32
      %sign3A_913 = arith.constant 0 : i32
      %sign3A_914 = arith.cmpi sgt, %add3A_833, %sign3A_913 : i32
      %sign3A_915 = arith.extui %sign3A_914 : i1 to i32
      %sign3A_916 = arith.constant 0 : i32
      %sign3A_917 = arith.cmpi slt, %add3A_833, %sign3A_916 : i32
      %sign3A_918 = arith.extui %sign3A_917 : i1 to i32
      %sign3A_919 = arith.subi %sign3A_915, %sign3A_918 : i32
      %sign3A_920 = arith.constant 0 : i32
      %sign3A_921 = arith.cmpi sgt, %jit3A_911, %sign3A_920 : i32
      %sign3A_922 = arith.extui %sign3A_921 : i1 to i32
      %sign3A_923 = arith.constant 0 : i32
      %sign3A_924 = arith.cmpi slt, %jit3A_911, %sign3A_923 : i32
      %sign3A_925 = arith.extui %sign3A_924 : i1 to i32
      %sign3A_926 = arith.subi %sign3A_922, %sign3A_925 : i32
      %ne3A_927 = arith.cmpi ne, %sign3A_919, %sign3A_926 : i32
      %rem3A_928 = arith.remsi %add3A_833, %jit3A_911 : i32
      %ne3A_929 = arith.constant 0 : i32
      %ne3A_930 = arith.cmpi ne, %rem3A_928, %ne3A_929 : i32
      %and3A_931 = arith.andi %ne3A_927, %ne3A_930 : i1
      %sub3A_932 = arith.constant 1 : i32
      %sub3A_933 = arith.subi %div3A_912, %sub3A_932 : i32
      %select_n3A_934 = arith.select %and3A_931, %sub3A_933, %div3A_912 : i32
      %mul3A_935 = arith.constant 16 : i32
      %mul3A_936 = arith.muli %select_n3A_934, %mul3A_935 : i32
      %get3A_937 = arith.index_cast %mul3A_936 : i32 to index
      %get3A_938 = tpu.vector_load %arg9[%get3A_937] {strides = array<i32>} : memref<128xi32, #tpu.memory_space<vmem>>, vector<16xi32>,
      %rem3A_939 = arith.constant 16 : i32
      %rem3A_940 = arith.remsi %add3A_833, %rem3A_939 : i32
      %eq3A_941 = vector.broadcast %rem3A_940 : i32 to vector<16xi32>
      %eq3A_942 = arith.cmpi eq, %iota3A, %eq3A_941 : vector<16xi32>
      %jit3A_943 = arith.constant 0 : i32
      %broadcast_in_dim3A_944 = vector.broadcast %jit3A_943 : i32 to vector<16xi32>
      %select_n3A_945 = arith.select %eq3A_942, %get3A_938, %broadcast_in_dim3A_944 : vector<16xi1>, vector<16xi32>
      %reduce_sum3A_946 = arith.constant true
      %reduce_sum3A_947 = vector.broadcast %reduce_sum3A_946 : i1 to vector<16xi1>
      %reduce_sum3A_948 = tpu.scan <sum>, %select_n3A_945 masked %reduce_sum3A_947 : vector<16xi32>, vector<16xi1> -> vector<16xi32>
      %reduce_sum3A_949 = vector.extract %reduce_sum3A_948[15] : i32 from vector<16xi32>
      %rem3A_950 = arith.constant 128 : i32
      %rem3A_951 = arith.remsi %reduce_sum3A_949, %rem3A_950 : i32
      %broadcast_in_dim3A_952 = arith.constant 3 : i32
      %broadcast_in_dim3A_953 = vector.broadcast %broadcast_in_dim3A_952 : i32 to vector<16xi32>
      %broadcast_in_dim3A_954 = vector.broadcast %rem3A_951 : i32 to vector<16xi32>
      %broadcast_in_dim3A_955 = vector.broadcast %add3A_833 : i32 to vector<16xi32>
      %gather3A_956 = tpu.vector_load_idx %arg11[%broadcast_in_dim3A_953, %iota3A, %broadcast_in_dim3A_954] : memref<4x32x128xf32, #tpu.memory_space<vmem>>[vector<16xi32>, vector<16xi32>, vector<16xi32>], vector<16xf32>,
      %gather3A_957 = tpu.vector_load_idx %arg11[%broadcast_in_dim3A_953, %add3A_5, %broadcast_in_dim3A_954] : memref<4x32x128xf32, #tpu.memory_space<vmem>>[vector<16xi32>, vector<16xi32>, vector<16xi32>], vector<16xf32>,
      tpu.vector_store_idx %arg13[%iota3A, %broadcast_in_dim3A_955], %gather3A_956 : memref<32x128xf32, #tpu.memory_space<vmem>>[vector<16xi32>, vector<16xi32>], vector<16xf32>,
      tpu.vector_store_idx %arg13[%add3A_5, %broadcast_in_dim3A_955], %gather3A_957 : memref<32x128xf32, #tpu.memory_space<vmem>>[vector<16xi32>, vector<16xi32>], vector<16xf32>,
      %add3A_958 = arith.constant 4 : i32
      %add3A_959 = arith.addi %add3A_833, %add3A_958 : i32
      %lt3A_960 = arith.constant 128 : i32
      %lt3A_961 = arith.cmpi slt, %add3A_959, %lt3A_960 : i32
      %convert_element_type3A_962 = arith.extui %lt3A_961 : i1 to i32
      %cond3A_963 = arith.constant 0 : i32
      %cond3A_964 = arith.cmpi ne, %convert_element_type3A_962, %cond3A_963 : i32
      scf.if %cond3A_964 {
        %add3A_965 = arith.constant 4 : i32
        %add3A_966 = arith.addi %add3A_833, %add3A_965 : i32
        %jit3A_967 = arith.constant 16 : i32
        %div3A_968 = arith.divsi %add3A_966, %jit3A_967 : i32
        %sign3A_969 = arith.constant 0 : i32
        %sign3A_970 = arith.cmpi sgt, %add3A_966, %sign3A_969 : i32
        %sign3A_971 = arith.extui %sign3A_970 : i1 to i32
        %sign3A_972 = arith.constant 0 : i32
        %sign3A_973 = arith.cmpi slt, %add3A_966, %sign3A_972 : i32
        %sign3A_974 = arith.extui %sign3A_973 : i1 to i32
        %sign3A_975 = arith.subi %sign3A_971, %sign3A_974 : i32
        %sign3A_976 = arith.constant 0 : i32
        %sign3A_977 = arith.cmpi sgt, %jit3A_967, %sign3A_976 : i32
        %sign3A_978 = arith.extui %sign3A_977 : i1 to i32
        %sign3A_979 = arith.constant 0 : i32
        %sign3A_980 = arith.cmpi slt, %jit3A_967, %sign3A_979 : i32
        %sign3A_981 = arith.extui %sign3A_980 : i1 to i32
        %sign3A_982 = arith.subi %sign3A_978, %sign3A_981 : i32
        %ne3A_983 = arith.cmpi ne, %sign3A_975, %sign3A_982 : i32
        %rem3A_984 = arith.remsi %add3A_966, %jit3A_967 : i32
        %ne3A_985 = arith.constant 0 : i32
        %ne3A_986 = arith.cmpi ne, %rem3A_984, %ne3A_985 : i32
        %and3A_987 = arith.andi %ne3A_983, %ne3A_986 : i1
        %sub3A_988 = arith.constant 1 : i32
        %sub3A_989 = arith.subi %div3A_968, %sub3A_988 : i32
        %select_n3A_990 = arith.select %and3A_987, %sub3A_989, %div3A_968 : i32
        %mul3A_991 = arith.constant 16 : i32
        %mul3A_992 = arith.muli %select_n3A_990, %mul3A_991 : i32
        %get3A_993 = arith.index_cast %mul3A_992 : i32 to index
        %get3A_994 = tpu.vector_load %arg8[%get3A_993] {strides = array<i32>} : memref<128xi32, #tpu.memory_space<vmem>>, vector<16xi32>,
        %rem3A_995 = arith.constant 16 : i32
        %rem3A_996 = arith.remsi %add3A_966, %rem3A_995 : i32
        %eq3A_997 = vector.broadcast %rem3A_996 : i32 to vector<16xi32>
        %eq3A_998 = arith.cmpi eq, %iota3A, %eq3A_997 : vector<16xi32>
        %jit3A_999 = arith.constant 0 : i32
        %broadcast_in_dim3A_1000 = vector.broadcast %jit3A_999 : i32 to vector<16xi32>
        %select_n3A_1001 = arith.select %eq3A_998, %get3A_994, %broadcast_in_dim3A_1000 : vector<16xi1>, vector<16xi32>
        %reduce_sum3A_1002 = arith.constant true
        %reduce_sum3A_1003 = vector.broadcast %reduce_sum3A_1002 : i1 to vector<16xi1>
        %reduce_sum3A_1004 = tpu.scan <sum>, %select_n3A_1001 masked %reduce_sum3A_1003 : vector<16xi32>, vector<16xi1> -> vector<16xi32>
        %reduce_sum3A_1005 = vector.extract %reduce_sum3A_1004[15] : i32 from vector<16xi32>
        %jit3A_1006 = arith.constant 128 : i32
        %div3A_1007 = arith.divsi %reduce_sum3A_1005, %jit3A_1006 : i32
        %sign3A_1008 = arith.constant 0 : i32
        %sign3A_1009 = arith.cmpi sgt, %reduce_sum3A_1005, %sign3A_1008 : i32
        %sign3A_1010 = arith.extui %sign3A_1009 : i1 to i32
        %sign3A_1011 = arith.constant 0 : i32
        %sign3A_1012 = arith.cmpi slt, %reduce_sum3A_1005, %sign3A_1011 : i32
        %sign3A_1013 = arith.extui %sign3A_1012 : i1 to i32
        %sign3A_1014 = arith.subi %sign3A_1010, %sign3A_1013 : i32
        %sign3A_1015 = arith.constant 0 : i32
        %sign3A_1016 = arith.cmpi sgt, %jit3A_1006, %sign3A_1015 : i32
        %sign3A_1017 = arith.extui %sign3A_1016 : i1 to i32
        %sign3A_1018 = arith.constant 0 : i32
        %sign3A_1019 = arith.cmpi slt, %jit3A_1006, %sign3A_1018 : i32
        %sign3A_1020 = arith.extui %sign3A_1019 : i1 to i32
        %sign3A_1021 = arith.subi %sign3A_1017, %sign3A_1020 : i32
        %ne3A_1022 = arith.cmpi ne, %sign3A_1014, %sign3A_1021 : i32
        %rem3A_1023 = arith.remsi %reduce_sum3A_1005, %jit3A_1006 : i32
        %ne3A_1024 = arith.constant 0 : i32
        %ne3A_1025 = arith.cmpi ne, %rem3A_1023, %ne3A_1024 : i32
        %and3A_1026 = arith.andi %ne3A_1022, %ne3A_1025 : i1
        %sub3A_1027 = arith.constant 1 : i32
        %sub3A_1028 = arith.subi %div3A_1007, %sub3A_1027 : i32
        %select_n3A_1029 = arith.select %and3A_1026, %sub3A_1028, %div3A_1007 : i32
        %mul3A_1030 = arith.constant 128 : i32
        %mul3A_1031 = arith.muli %select_n3A_1029, %mul3A_1030 : i32
        %multiple_of3A_1032 = tpu.assume_multiple %mul3A_1031, 128 : i32
        %dma_start3A_1033 = arith.constant 3 : i32
        %dma_start3A_1034 = arith.constant 0 : i32
        %dma_start3A_1035 = arith.constant 0 : i32
        %dma_start3A_1036 = tpu.memref_slice %arg10[%dma_start3A_1033, %dma_start3A_1034, %dma_start3A_1035] : memref<4x32x128xf32, #tpu.memory_space<vmem>> -> memref<1x32x128xf32, #tpu.memory_space<vmem>>
        %dma_start3A_1037 = tpu.memref_squeeze %dma_start3A_1036 : memref<1x32x128xf32, #tpu.memory_space<vmem>> -> memref<32x128xf32, #tpu.memory_space<vmem>>
        %dma_start3A_1038 = arith.constant 0 : i32
        %dma_start3A_1039 = tpu.memref_slice %arg4[%dma_start3A_1038, %multiple_of3A_1032] : memref<32x1000000xf32, #tpu.memory_space<hbm>> -> memref<32x128xf32, #tpu.memory_space<hbm>>
        %dma_start3A_1040 = arith.constant 0 : i32
        %dma_start3A_1041 = arith.constant 0 : i32
        %dma_start3A_1042 = tpu.memref_slice %arg10[%dma_start3A_1033, %dma_start3A_1040, %dma_start3A_1041] : memref<4x32x128xf32, #tpu.memory_space<vmem>> -> memref<1x32x128xf32, #tpu.memory_space<vmem>>
        %dma_start3A_1043 = tpu.memref_squeeze %dma_start3A_1042 : memref<1x32x128xf32, #tpu.memory_space<vmem>> -> memref<32x128xf32, #tpu.memory_space<vmem>>
        %dma_start3A_1044 = arith.constant 0 : i32
        %dma_start3A_1045 = tpu.memref_slice %arg4[%dma_start3A_1044, %multiple_of3A_1032] : memref<32x1000000xf32, #tpu.memory_space<hbm>> -> memref<32x128xf32, #tpu.memory_space<hbm>>
        tpu.enqueue_dma source(%dma_start3A_1045 : memref<32x128xf32, #tpu.memory_space<hbm>>) target(%dma_start3A_1043 : memref<32x128xf32, #tpu.memory_space<vmem>>) target_semaphore(%arg17 : memref<!tpu.dma_semaphore, #tpu.memory_space<semaphore_mem>>)
        %add3A_1046 = arith.constant 4 : i32
        %add3A_1047 = arith.addi %add3A_833, %add3A_1046 : i32
        %jit3A_1048 = arith.constant 16 : i32
        %div3A_1049 = arith.divsi %add3A_1047, %jit3A_1048 : i32
        %sign3A_1050 = arith.constant 0 : i32
        %sign3A_1051 = arith.cmpi sgt, %add3A_1047, %sign3A_1050 : i32
        %sign3A_1052 = arith.extui %sign3A_1051 : i1 to i32
        %sign3A_1053 = arith.constant 0 : i32
        %sign3A_1054 = arith.cmpi slt, %add3A_1047, %sign3A_1053 : i32
        %sign3A_1055 = arith.extui %sign3A_1054 : i1 to i32
        %sign3A_1056 = arith.subi %sign3A_1052, %sign3A_1055 : i32
        %sign3A_1057 = arith.constant 0 : i32
        %sign3A_1058 = arith.cmpi sgt, %jit3A_1048, %sign3A_1057 : i32
        %sign3A_1059 = arith.extui %sign3A_1058 : i1 to i32
        %sign3A_1060 = arith.constant 0 : i32
        %sign3A_1061 = arith.cmpi slt, %jit3A_1048, %sign3A_1060 : i32
        %sign3A_1062 = arith.extui %sign3A_1061 : i1 to i32
        %sign3A_1063 = arith.subi %sign3A_1059, %sign3A_1062 : i32
        %ne3A_1064 = arith.cmpi ne, %sign3A_1056, %sign3A_1063 : i32
        %rem3A_1065 = arith.remsi %add3A_1047, %jit3A_1048 : i32
        %ne3A_1066 = arith.constant 0 : i32
        %ne3A_1067 = arith.cmpi ne, %rem3A_1065, %ne3A_1066 : i32
        %and3A_1068 = arith.andi %ne3A_1064, %ne3A_1067 : i1
        %sub3A_1069 = arith.constant 1 : i32
        %sub3A_1070 = arith.subi %div3A_1049, %sub3A_1069 : i32
        %select_n3A_1071 = arith.select %and3A_1068, %sub3A_1070, %div3A_1049 : i32
        %mul3A_1072 = arith.constant 16 : i32
        %mul3A_1073 = arith.muli %select_n3A_1071, %mul3A_1072 : i32
        %get3A_1074 = arith.index_cast %mul3A_1073 : i32 to index
        %get3A_1075 = tpu.vector_load %arg9[%get3A_1074] {strides = array<i32>} : memref<128xi32, #tpu.memory_space<vmem>>, vector<16xi32>,
        %rem3A_1076 = arith.constant 16 : i32
        %rem3A_1077 = arith.remsi %add3A_1047, %rem3A_1076 : i32
        %eq3A_1078 = vector.broadcast %rem3A_1077 : i32 to vector<16xi32>
        %eq3A_1079 = arith.cmpi eq, %iota3A, %eq3A_1078 : vector<16xi32>
        %jit3A_1080 = arith.constant 0 : i32
        %broadcast_in_dim3A_1081 = vector.broadcast %jit3A_1080 : i32 to vector<16xi32>
        %select_n3A_1082 = arith.select %eq3A_1079, %get3A_1075, %broadcast_in_dim3A_1081 : vector<16xi1>, vector<16xi32>
        %reduce_sum3A_1083 = arith.constant true
        %reduce_sum3A_1084 = vector.broadcast %reduce_sum3A_1083 : i1 to vector<16xi1>
        %reduce_sum3A_1085 = tpu.scan <sum>, %select_n3A_1082 masked %reduce_sum3A_1084 : vector<16xi32>, vector<16xi1> -> vector<16xi32>
        %reduce_sum3A_1086 = vector.extract %reduce_sum3A_1085[15] : i32 from vector<16xi32>
        %jit3A_1087 = arith.constant 128 : i32
        %div3A_1088 = arith.divsi %reduce_sum3A_1086, %jit3A_1087 : i32
        %sign3A_1089 = arith.constant 0 : i32
        %sign3A_1090 = arith.cmpi sgt, %reduce_sum3A_1086, %sign3A_1089 : i32
        %sign3A_1091 = arith.extui %sign3A_1090 : i1 to i32
        %sign3A_1092 = arith.constant 0 : i32
        %sign3A_1093 = arith.cmpi slt, %reduce_sum3A_1086, %sign3A_1092 : i32
        %sign3A_1094 = arith.extui %sign3A_1093 : i1 to i32
        %sign3A_1095 = arith.subi %sign3A_1091, %sign3A_1094 : i32
        %sign3A_1096 = arith.constant 0 : i32
        %sign3A_1097 = arith.cmpi sgt, %jit3A_1087, %sign3A_1096 : i32
        %sign3A_1098 = arith.extui %sign3A_1097 : i1 to i32
        %sign3A_1099 = arith.constant 0 : i32
        %sign3A_1100 = arith.cmpi slt, %jit3A_1087, %sign3A_1099 : i32
        %sign3A_1101 = arith.extui %sign3A_1100 : i1 to i32
        %sign3A_1102 = arith.subi %sign3A_1098, %sign3A_1101 : i32
        %ne3A_1103 = arith.cmpi ne, %sign3A_1095, %sign3A_1102 : i32
        %rem3A_1104 = arith.remsi %reduce_sum3A_1086, %jit3A_1087 : i32
        %ne3A_1105 = arith.constant 0 : i32
        %ne3A_1106 = arith.cmpi ne, %rem3A_1104, %ne3A_1105 : i32
        %and3A_1107 = arith.andi %ne3A_1103, %ne3A_1106 : i1
        %sub3A_1108 = arith.constant 1 : i32
        %sub3A_1109 = arith.subi %div3A_1088, %sub3A_1108 : i32
        %select_n3A_1110 = arith.select %and3A_1107, %sub3A_1109, %div3A_1088 : i32
        %mul3A_1111 = arith.constant 128 : i32
        %mul3A_1112 = arith.muli %select_n3A_1110, %mul3A_1111 : i32
        %multiple_of3A_1113 = tpu.assume_multiple %mul3A_1112, 128 : i32
        %dma_start3A_1114 = arith.constant 3 : i32
        %dma_start3A_1115 = arith.constant 0 : i32
        %dma_start3A_1116 = arith.constant 0 : i32
        %dma_start3A_1117 = tpu.memref_slice %arg11[%dma_start3A_1114, %dma_start3A_1115, %dma_start3A_1116] : memref<4x32x128xf32, #tpu.memory_space<vmem>> -> memref<1x32x128xf32, #tpu.memory_space<vmem>>
        %dma_start3A_1118 = tpu.memref_squeeze %dma_start3A_1117 : memref<1x32x128xf32, #tpu.memory_space<vmem>> -> memref<32x128xf32, #tpu.memory_space<vmem>>
        %dma_start3A_1119 = arith.constant 0 : i32
        %dma_start3A_1120 = tpu.memref_slice %arg5[%dma_start3A_1119, %multiple_of3A_1113] : memref<32x1000000xf32, #tpu.memory_space<hbm>> -> memref<32x128xf32, #tpu.memory_space<hbm>>
        %dma_start3A_1121 = arith.constant 0 : i32
        %dma_start3A_1122 = arith.constant 0 : i32
        %dma_start3A_1123 = tpu.memref_slice %arg11[%dma_start3A_1114, %dma_start3A_1121, %dma_start3A_1122] : memref<4x32x128xf32, #tpu.memory_space<vmem>> -> memref<1x32x128xf32, #tpu.memory_space<vmem>>
        %dma_start3A_1124 = tpu.memref_squeeze %dma_start3A_1123 : memref<1x32x128xf32, #tpu.memory_space<vmem>> -> memref<32x128xf32, #tpu.memory_space<vmem>>
        %dma_start3A_1125 = arith.constant 0 : i32
        %dma_start3A_1126 = tpu.memref_slice %arg5[%dma_start3A_1125, %multiple_of3A_1113] : memref<32x1000000xf32, #tpu.memory_space<hbm>> -> memref<32x128xf32, #tpu.memory_space<hbm>>
        tpu.enqueue_dma source(%dma_start3A_1126 : memref<32x128xf32, #tpu.memory_space<hbm>>) target(%dma_start3A_1124 : memref<32x128xf32, #tpu.memory_space<vmem>>) target_semaphore(%arg21 : memref<!tpu.dma_semaphore, #tpu.memory_space<semaphore_mem>>)
      } else {
      }
    }
    %scan3A_428 = arith.constant 32 : i32
    "tpu.region"() ({
      %run_scoped3A = tpu.sem_alloc : memref<!tpu.dma_semaphore, #tpu.memory_space<semaphore_mem>>
      %dma_start3A_429 = arith.constant 0 : i32
      %dma_start3A_430 = tpu.memref_slice %arg6[%dma_start3A_429, %mul3A_2] : memref<32x4096xf32, #tpu.memory_space<hbm>> -> memref<32x128xf32, #tpu.memory_space<hbm>>
      %dma_start3A_431 = arith.constant 0 : i32
      %dma_start3A_432 = tpu.memref_slice %arg6[%dma_start3A_431, %mul3A_2] : memref<32x4096xf32, #tpu.memory_space<hbm>> -> memref<32x128xf32, #tpu.memory_space<hbm>>
      tpu.enqueue_dma source(%arg12 : memref<32x128xf32, #tpu.memory_space<vmem>>) target(%dma_start3A_432 : memref<32x128xf32, #tpu.memory_space<hbm>>) target_semaphore(%run_scoped3A : memref<!tpu.dma_semaphore, #tpu.memory_space<semaphore_mem>>)
      %dma_wait3A = arith.constant 0 : i32
      %dma_wait3A_433 = tpu.memref_slice %arg6[%dma_wait3A, %mul3A_2] : memref<32x4096xf32, #tpu.memory_space<hbm>> -> memref<32x128xf32, #tpu.memory_space<hbm>>
      %dma_wait3A_434 = arith.constant 0 : i32
      %dma_wait3A_435 = tpu.memref_slice %arg6[%dma_wait3A_434, %mul3A_2] : memref<32x4096xf32, #tpu.memory_space<hbm>> -> memref<32x128xf32, #tpu.memory_space<hbm>>
      tpu.wait_dma2 semaphore(%run_scoped3A : memref<!tpu.dma_semaphore, #tpu.memory_space<semaphore_mem>>) src(%arg12 : memref<32x128xf32, #tpu.memory_space<vmem>>) dst(%dma_wait3A_435 : memref<32x128xf32, #tpu.memory_space<hbm>>)
      tpu.yield
    }) : () -> ()
    "tpu.region"() ({
      %run_scoped3A = tpu.sem_alloc : memref<!tpu.dma_semaphore, #tpu.memory_space<semaphore_mem>>
      %dma_start3A_429 = arith.constant 0 : i32
      %dma_start3A_430 = tpu.memref_slice %arg7[%dma_start3A_429, %mul3A_2] : memref<32x4096xf32, #tpu.memory_space<hbm>> -> memref<32x128xf32, #tpu.memory_space<hbm>>
      %dma_start3A_431 = arith.constant 0 : i32
      %dma_start3A_432 = tpu.memref_slice %arg7[%dma_start3A_431, %mul3A_2] : memref<32x4096xf32, #tpu.memory_space<hbm>> -> memref<32x128xf32, #tpu.memory_space<hbm>>
      tpu.enqueue_dma source(%arg13 : memref<32x128xf32, #tpu.memory_space<vmem>>) target(%dma_start3A_432 : memref<32x128xf32, #tpu.memory_space<hbm>>) target_semaphore(%run_scoped3A : memref<!tpu.dma_semaphore, #tpu.memory_space<semaphore_mem>>)
      %dma_wait3A = arith.constant 0 : i32
      %dma_wait3A_433 = tpu.memref_slice %arg7[%dma_wait3A, %mul3A_2] : memref<32x4096xf32, #tpu.memory_space<hbm>> -> memref<32x128xf32, #tpu.memory_space<hbm>>
      %dma_wait3A_434 = arith.constant 0 : i32
      %dma_wait3A_435 = tpu.memref_slice %arg7[%dma_wait3A_434, %mul3A_2] : memref<32x4096xf32, #tpu.memory_space<hbm>> -> memref<32x128xf32, #tpu.memory_space<hbm>>
      tpu.wait_dma2 semaphore(%run_scoped3A : memref<!tpu.dma_semaphore, #tpu.memory_space<semaphore_mem>>) src(%arg13 : memref<32x128xf32, #tpu.memory_space<vmem>>) dst(%dma_wait3A_435 : memref<32x128xf32, #tpu.memory_space<hbm>>)
      tpu.yield
    }) : () -> ()
    return
  }
}

module attributes {stable_mosaic.version = 14 : i64} {
  func.func @_score_logsoftmax_body(%arg0: i32, %arg1: memref<32x512xf32, #tpu.memory_space<vmem>>, %arg2: memref<32x4096xf32, #tpu.memory_space<vmem>>, %arg3: memref<512x4096xf32, #tpu.memory_space<vmem>>) attributes {dimension_semantics = [#tpu.dimension_semantics<arbitrary>], iteration_bounds = array<i64: 8>, scalar_prefetch = 0 : i64, scratch_operands = 0 : i64, tpu.core_type = #tpu.core_type<tc>, window_params = [{transform_indices = @transform_0, window_bounds = array<i64: 32, 512>}, {pipeline_mode = #tpu.pipeline_mode<synchronous>, transform_indices = @transform_1, window_bounds = array<i64: 32, 4096>}, {transform_indices = @transform_2, window_bounds = array<i64: 512, 4096>}]} {
    %get3A = arith.constant 0 : index
    %get3A_0 = arith.constant 0 : index
    %get3A_1 = vector.load %arg1[%get3A, %get3A_0] : memref<32x512xf32, #tpu.memory_space<vmem>>, vector<32x512xf32>
    %get3A_2 = arith.constant 0 : index
    %get3A_3 = arith.constant 0 : index
    %get3A_4 = vector.load %arg2[%get3A_2, %get3A_3] : memref<32x4096xf32, #tpu.memory_space<vmem>>, vector<32x4096xf32>
    %dot_general3A = arith.constant dense<0.000000e+00> : vector<512x4096xf32>
    %dot_general3A_5 = tpu.matmul %get3A_1, %get3A_4, %dot_general3A {dimension_numbers = #tpu.dot_dimension_numbers<[0], [0], [1], [1], [0, 1, 1, 1], [], []>, transpose_lhs_hint = false} : vector<32x512xf32>, vector<32x4096xf32>, vector<512x4096xf32> -> vector<512x4096xf32>
    %reduce_max3A = arith.constant dense<0xFF800000> : vector<512xf32>
    %reduce_max3A_6 = vector.multi_reduction <maximumf>, %dot_general3A_5, %reduce_max3A [1] : vector<512x4096xf32> to vector<512xf32>
    %broadcast_in_dim3A = vector.shape_cast %reduce_max3A_6 : vector<512xf32> to vector<512x1xf32>
    %sub3A = vector.broadcast %broadcast_in_dim3A : vector<512x1xf32> to vector<512x4096xf32>
    %sub3A_7 = arith.subf %dot_general3A_5, %sub3A : vector<512x4096xf32>
    %exp3A = math.exp %sub3A_7 : vector<512x4096xf32>
    %reduce_sum3A = arith.constant dense<0.000000e+00> : vector<512xf32>
    %reduce_sum3A_8 = vector.multi_reduction <add>, %exp3A, %reduce_sum3A [1] : vector<512x4096xf32> to vector<512xf32>
    %broadcast_in_dim3A_9 = vector.shape_cast %reduce_sum3A_8 : vector<512xf32> to vector<512x1xf32>
    %log3A = math.log %broadcast_in_dim3A_9 : vector<512x1xf32>
    %add3A = arith.addf %log3A, %broadcast_in_dim3A : vector<512x1xf32>
    %sub3A_10 = vector.broadcast %add3A : vector<512x1xf32> to vector<512x4096xf32>
    %sub3A_11 = arith.subf %dot_general3A_5, %sub3A_10 : vector<512x4096xf32>
    %swap3A = arith.constant 0 : index
    %swap3A_12 = arith.constant 0 : index
    %swap3A_13 = vector.load %arg3[%swap3A, %swap3A_12] : memref<512x4096xf32, #tpu.memory_space<vmem>>, vector<512x4096xf32>
    tpu.vector_store %arg3[%swap3A, %swap3A_12], %sub3A_11 {strides = array<i32>} : memref<512x4096xf32, #tpu.memory_space<vmem>>, vector<512x4096xf32>,
    return
  }
  func.func @transform_0(%arg0: i32) -> (i32, i32) {
    %c0_i32 = arith.constant 0 : i32
    %c0_i32_0 = arith.constant 0 : i32
    return %c0_i32, %arg0 : i32, i32
  }
  func.func @transform_1(%arg0: i32) -> (i32, i32) {
    %c0_i32 = arith.constant 0 : i32
    %c0_i32_0 = arith.constant 0 : i32
    %c0_i32_1 = arith.constant 0 : i32
    return %c0_i32, %c0_i32_0 : i32, i32
  }
  func.func @transform_2(%arg0: i32) -> (i32, i32) {
    %c0_i32 = arith.constant 0 : i32
    %c0_i32_0 = arith.constant 0 : i32
    return %arg0, %c0_i32 : i32, i32
  }
}

</mosaic_0001>

<sc_bundles>
// kernel: kernel.4.cloned.1.call-start
scs
__scs_entry_jumppad:
0x0: {  	(pc) =	sbr.rel $0x88, $3  }
0x1: {  	(tag) =	ssettag $0x0;
	lr =	simm.s32 $0x1  }
0x2: {  	[smem:$0x3F9D] =	sst lr;
	_ =	strace $0xD0000000  }
0x3: {  	_ = 	snop  }
0x4: {  	_ = 	snop  }
0x5: {  	_ = 	snop  }
0x6: {  	_ = 	snop  }
0x7: {  	_ = 	snop  }
__scs_overlays_trampoline_lowered:
0x8: {  	[smem:$0x3FAC] =	sst s0  }
0x9: {  	[smem:$0x3FAD] =	sst s1  }
0xa: {  	[smem:$0x3FAE] =	sst s2  }
0xb: {  	[smem:$0x3FAF] =	sst s3  }
0xc: {  	[smem:$0x3FB0] =	sst s4  }
0xd: {  	[smem:$0x3FB1] =	sst s5  }
0xe: {  	[smem:$0x3FB2] =	sst s6  }
0xf: {  	[smem:$0x3FB3] =	sst s7  }
0x10: {  	[smem:$0x3FB4] =	sst s8  }
0x11: {  	[smem:$0x3FB5] =	sst s9;
	s0 =	simm.s32 @!p0 $0x0  }
0x12: {  	s1 =	sld [smem:$0x3F9B];
	s0 =	simm.s32 @p0 $0x1  }
0x13: {  	[smem:$0x3FB6] =	sst s0;
	s0 =	simm.s32 @!p1 $0x0  }
0x14: {  	s2 =	sld [smem:$0x3F9A];
	s0 =	simm.s32 @p1 $0x1  }
0x15: {  	[smem:$0x3FB7] =	sst s0;
	s0 =	simm.s32 @!p2 $0x0  }
0x16: {  	s3 =	sld [smem:$0x3FDB];
	s0 =	simm.s32 @p2 $0x1  }
0x17: {  	s4 =	simm.s32 $0x1BF5;
	[smem:$0x3FB9] =	sst s0  }
0x18: {  	s0 =	sld [smem:$0x3F9C];
	_ =	swait.ge [sflag:s4], $0x0  }
0x19: {  	s7 =	sld [smem:$0x3F9D]  }
0x1a: {  	s8 =	sadd.s32 $0xFFFFE003, lr  }
0x1b: {  	s9 =	sadd.s32 $0xFFFFFEF7, lr;
	s5 =	simm.s32 $0xFFFFFFFF;
	p2 =	slt.u32 s8, $0xFFFFF086  }
0x1c: {  	p1 =	slt.u32 s9, $0xF7A;
	s5 =	simm.s32 @!p2 $0x0  }
0x1d: {  	s5 =	simm.s32 @p1 $0x1;
	p0 =	seq.s32 s7, s2  }
0x1e: {  	s7 =	smul.u32 @!p0 $0xF7A, s2;
	p2 =	seq.s32 @!p0 s5, $0x0  }
0x1f: {  	s9 =	smul.u32 $0xF7A, s1;
	s8 =	simm.s32 @!p0 $0x1BF5;
	p2 =	por !p2, p0  }
0x20: {  	[sflag:s8] =	ssyncset.s32 @!p0 $0xFFFFF086;
	s6 =	sadd.s32 @!p0 s3, s7;
	s7 =	simm.s32 @!p0 $0x108  }
0x21: {  	s3 =	sadd.s32 s3, s9;
	s6 =	sadd.s32 @!p0 $0x88, s6;
	s7 =	simm.s32 @p2 $0x1082  }
0x22: {  	[simem:s7], [sflag:s8] =	dma.local @!p0 [hbm:s6], $0xF7A  }
0x23: {  	s9 =	sor.u32 $0xD0000000, s2;
	s6 =	simm.s32 $0x108;
	_ =	swait.ge @!p0 [sflag:s8], $0x0  }
0x24: {  	s3 =	sadd.s32 $0x88, s3;
	s6 =	simm.s32 @!p1 $0x1082;
	[sflag:s4] =	ssyncset.s32 $0xFFFFF086  }
0x25: {  	[simem:s6], [sflag:s4] =	dma.local [hbm:s3], $0xF7A  }
0x26: {  	[smem:$0x3F9D] =	sst s1;
	(tag) =	ssettag s2;
	_ =	strace s9  }
0x27: {  	s1 =	sld [smem:$0x3FAD]  }
0x28: {  	s2 =	sld [smem:$0x3FAE]  }
0x29: {  	s4 =	sld [smem:$0x3FB0]  }
0x2a: {  	p0 =	seq.s32 s5, $0x0;
	s5 =	sld [smem:$0x3FB1]  }
0x2b: {  	s6 =	sld [smem:$0x3FB2]  }
0x2c: {  	s7 =	sld [smem:$0x3FB3]  }
0x2d: {  	s3 =	simm.s32 $0x108;
	s8 =	sld [smem:$0x3FB4]  }
0x2e: {  	s3 =	simm.s32 @!p0 $0x1082;
	s9 =	sld [smem:$0x3FB5]  }
0x2f: {  	lr =	sadd.s32 s0, s3;
	s0 =	sld [smem:$0x3FAC]  }
0x30: {  	s3 =	sld [smem:$0x3FAF]  }
0x31: {  	[smem:$0x3FB8] =	sst s10  }
0x32: {  	s10 =	sld [smem:$0x3FB6];
	_ =	sdelay $0x3  }
0x33: {  	p0 =	seq.s32 s10, $0x1;
	s10 =	sld [smem:$0x3FB8];
	_ =	sdelay $0x3  }
0x34: {  	[smem:$0x3FB8] =	sst s10  }
0x35: {  	s10 =	sld [smem:$0x3FB7];
	_ =	sdelay $0x3  }
0x36: {  	p1 =	seq.s32 s10, $0x1;
	s10 =	sld [smem:$0x3FB8];
	_ =	sdelay $0x3  }
0x37: {  	[smem:$0x3FB8] =	sst s10  }
0x38: {  	s10 =	sld [smem:$0x3FB9]  }
0x39: {  	_ = 	snop;
	(pc) =	sbr.ind lr, $3  }
0x3a: {  	_ = 	snop  }
0x3b: {  	_ = 	snop  }
0x3c: {  	p2 =	seq.s32 s10, $0x1;
	s10 =	sld [smem:$0x3FB8]  }
0x3d: {  	_ =	shalt  }
0x3e: {  	_ =	shalt  }
0x3f: {  	_ =	shalt  }
0x40: {  	_ =	shalt  }
0x41: {  	_ =	shalt  }
0x42: {  	_ =	shalt  }
0x43: {  	_ =	shalt  }
0x44: {  	_ =	shalt  }
0x45: {  	_ =	shalt  }
0x46: {  	_ =	shalt  }
0x47: {  	_ =	shalt  }
0x48: {  	_ =	shalt  }
0x49: {  	_ =	shalt  }
0x4a: {  	_ =	shalt  }
0x4b: {  	_ =	shalt  }
0x4c: {  	_ =	shalt  }
0x4d: {  	_ =	shalt  }
0x4e: {  	_ =	shalt  }
0x4f: {  	_ =	shalt  }
0x50: {  	_ =	shalt  }
0x51: {  	_ =	shalt  }
0x52: {  	_ =	shalt  }
0x53: {  	_ =	shalt  }
0x54: {  	_ =	shalt  }
0x55: {  	_ =	shalt  }
0x56: {  	_ =	shalt  }
0x57: {  	_ =	shalt  }
0x58: {  	_ =	shalt  }
0x59: {  	_ =	shalt  }
0x5a: {  	_ =	shalt  }
0x5b: {  	_ =	shalt  }
0x5c: {  	_ =	shalt  }
0x5d: {  	_ =	shalt  }
0x5e: {  	_ =	shalt  }
0x5f: {  	_ =	shalt  }
0x60: {  	_ =	shalt  }
0x61: {  	_ =	shalt  }
0x62: {  	_ =	shalt  }
0x63: {  	_ =	shalt  }
0x64: {  	_ =	shalt  }
0x65: {  	_ =	shalt  }
0x66: {  	_ =	shalt  }
0x67: {  	_ =	shalt  }
0x68: {  	_ =	shalt  }
0x69: {  	_ =	shalt  }
0x6a: {  	_ =	shalt  }
0x6b: {  	_ =	shalt  }
0x6c: {  	_ =	shalt  }
0x6d: {  	_ =	shalt  }
0x6e: {  	_ =	shalt  }
0x6f: {  	_ =	shalt  }
0x70: {  	_ =	shalt  }
0x71: {  	_ =	shalt  }
0x72: {  	_ =	shalt  }
0x73: {  	_ =	shalt  }
0x74: {  	_ =	shalt  }
0x75: {  	_ =	shalt  }
0x76: {  	_ =	shalt  }
0x77: {  	_ =	shalt  }
0x78: {  	_ =	shalt  }
0x79: {  	_ =	shalt  }
0x7a: {  	_ =	shalt  }
0x7b: {  	_ =	shalt  }
0x7c: {  	_ =	shalt  }
0x7d: {  	_ =	shalt  }
0x7e: {  	_ =	shalt  }
0x7f: {  	_ =	shalt  }
0x80: {  	_ =	shalt  }
0x81: {  	_ =	shalt  }
0x82: {  	_ =	shalt  }
0x83: {  	_ =	shalt  }
0x84: {  	_ =	shalt  }
0x85: {  	_ =	shalt  }
0x86: {  	_ =	shalt  }
0x87: {  	_ =	shalt  }
.Lfunc_end0:
.L_simem_size_0:
called_computation_lowered:
.L_overlay_start_0:
0x88: {  	s2 =	sld [smem:$0x3FD9]  }
0x89: {  	s3 =	sld [smem:$0x3FFE];
	_ =	sdelay $0x1  }
0x8a: {  	s1 =	srdreg.scid  }
0x8b: {  	s0 =	sand.u32 $0x1, s1  }
0x8c: {  	s17 =	sshll.u32 s0, $0xA;
	s2 =	sadd.s32 s3, s2  }
0x8d: {  	s2 =	sadd.s32 s2, s17  }
0x8e: {  	[smem:$0x3FC4] =	sst s2  }
0x8f: {  	_ = 	snop  }
0x90: {  	s2 =	sld [smem:$0x3FC7]  }
0x91: {  	s18 =	sld [smem:$0x3FC6]  }
0x92: {  	s4 =	sld [smem:$0x3FD0];
	(tm) =	ssettm $0x1  }
0x93: {  	s5 =	sld [smem:$0x3FFB];
	_ =	sdelay $0x3  }
0x94: {  	_ =	strace s5  }
0x95: {  	s5 =	sld [smem:$0x3FFC];
	_ =	sdelay $0x3  }
0x96: {  	_ =	strace s5  }
0x97: {  	s5 =	sld [smem:$0x3FFD];
	_ =	sdelay $0x3  }
0x98: {  	_ =	strace s5  }
0x99: {  	_ =	strace $0x8FFFFFFF  }
0x9a: {  	s19 =	sld [smem:$0x3FDB];
	_ =	sdelay $0x1  }
0x9b: {  	s6 =	simm.s32 $_scs_section_size  }
0x9c: {  	s7 =	simm.s32 $_size__tile_overlayer_lowered;
	s8 =	simm.s32 $_tile_overlayer_lowered  }
0x9d: {  	s22 =	simm.s32 $0x1BFF;
	s21 =	sshll.u32 s8, $0x1;
	s5 =	sadd.s32 s6, s19  }
0x9e: {  	s9 =	simm.s32 $0x0;
	s20 =	sshll.u32 s7, $0x1;
	s7 =	sadd.s32 s21, s5  }
0x9f: {  	[timem:s9], [sflag:s22] =	dma.local [hbm:s7], s20  }
0xa0: {  	_ =	swait.ge [sflag:s22], s20  }
0xa1: {  	s6 =	ssub.s32 $0x0, s20;
	[sflag:s22] =	ssyncset.done $0x0  }
0xa2: {  	[sflag:s22] =	ssyncadd.s32 s6;
	_ =	sdelay $0x1  }
0xa3: {  	s23 =	simm.s32 $0x1B8B  }
0xa4: {  	_ =	swait.ge [sflag:s23], $0x1  }
0xa5: {  	[sflag:s23] =	ssyncset.done $0x0  }
0xa6: {  	s25 =	simm.s32 $0x1B8E;
	s24 =	sld [smem:$0x3FFE];
	[sflag:s23] =	ssyncadd.s32 $0xFFFFFFFF  }
0xa7: {  	s26 =	simm.s32 $execute0_lowered;
	[smem:$0x3FD2] =	sst s25  }
0xa8: {  	s7 =	sshll.u32 s26, $0x1;
	_ =	strace $0x80000046;
	[dreg:$0x1] =	wrdreg $0xFFFFFFFF  }
0xa9: {  	s28 =	simm.s32 $_size_execute0_lowered;
	s5 =	sadd.s32 s5, s7;
	[dreg:$0x0] =	wrdreg $0x0  }
0xaa: {  	s7 =	sshll.u32 s28, $0x1;
	[dreg:$0x2] =	wrdreg s5  }
0xab: {  	[dreg:$0x3] =	wrdreg s7  }
0xac: {  	[dreg:$0x4] =	wrdreg $0xC0  }
0xad: {  	_ =	task [dreg:s9], $0x5FFFF  }
0xae: {  	[dreg:$0x1] =	wrdreg $0xFFFFFFFF  }
0xaf: {  	[dreg:$0x0] =	wrdreg $0x60  }
0xb0: {  	[dreg:$0x2] =	wrdreg s24  }
0xb1: {  	[dreg:$0x3] =	wrdreg s2  }
0xb2: {  	[dreg:$0x4] =	wrdreg s18  }
0xb3: {  	[dreg:$0x5] =	wrdreg s4  }
0xb4: {  	[dreg:$0x6] =	wrdreg $0x9  }
0xb5: {  	_ =	task.clear_ibuf [dreg:s9], $0x7FFFF;
	_ =	strace $0x90000046  }
0xb6: {  	s29 =	simm.s32 $0x9;
	_ =	strace $0x80000048  }
0xb7: {  	_ =	swait.ge [sflag:s29], $0x1  }
0xb8: {  	[sflag:s29] =	ssyncadd.s32 $0xFFFFFFFF  }
0xb9: {  	_ =	strace $0x90000048  }
0xba: {  	_ =	sfence  }
0xbb: {  	s30 =	sld [smem:$0x0];
	_ =	sdelay $0x2  }
0xbc: {  	s31 =	sshll.u32 s1, $0xD;
	s1 =	sshrl.u32 s1, $0x2  }
0xbd: {  	s3 =	sand.u32 $0x4000, s31;
	s1 =	sadd.s32 s1, s30  }
0xbe: {  	s0 =	sor.u32 s3, s0;
	s1 =	sshll.u32 s1, $0x11  }
0xbf: {  	s0 =	sor.u32 s1, s0  }
0xc0: {  	s0 =	sadd.s32 $0x8F2B, s0  }
0xc1: {  	[sflag:s0] =	ssyncadd.remote.s32 $0x1  }
0xc2: {  	_ =	sfence.sel $0xFFFF  }
0xc3: {  	[dreg:$0x0] =	wrdreg $0xFFFFFFFF;
	(pc) =	sbr.abs _section_cstart, $3  }
0xc4: {  	[dreg:$0x1] =	wrdreg $0xFFFFFFFF  }
0xc5: {  	_ =	task.clear_ibuf [dreg:s9], $0x2FFFF;
	_ =	strace $0x9FFFFFFF  }
0xc6: {  	(tm) =	ssettm $0x7FFFFFFF  }
0xc7: {  	_ =	shalt  }
tec
execute0_lowered:
.L_overlay_start_1:
0x0: {  	(tag) =	ssettag $0x1  }
0x1: {  	s0 =	rddreg [dreg:$0x0]  }
0x2: {  	s1 =	rddreg [dreg:$0x1]  }
0x3: {  	s2 =	rddreg [dreg:$0x2]  }
0x4: {  	s3 =	rddreg [dreg:$0x3]  }
0x5: {  	s6 =	simm.s32 $0x0;
	s5 =	srdreg.scid;
	s4 =	stileid.u32  }
0x6: {  	s10 =	simm.s32 $0x9;
	s12 =	simm.s32 $0x1;
	s13 =	simm.s32 $0x400  }
0x7: {  	s14 =	simm.s32 $0x7A1400;
	s15 =	simm.s32 $0x100;
	s16 =	simm.s32 $0x4100  }
0x8: {  	s21 =	simm.s32 $0x3100;
	s28 =	simm.s32 $0x6;
	s29 =	simm.s32 $0x3  }
0x9: {  	s30 =	simm.s32 $0x7;
	s31 =	simm.s32 $0x4;
	s11 =	simm.s32 $0x0  }
0xa: {  	[smem:$0x7FF] =	sst s6;
	s5 =	sand.u32 $0x1, s5;
	s22 =	sshll.u32 s4, $0x1  }
0xb: {  	_ =	strace $0x80000047;
	s6 =	sor.u32 s5, s22;
	s5 =	ssub.s32 $0x2, s5  }
0xc: {  	s22 =	simm.s32 $0x7100;
	s7 =	sshll.u32 s6, $0x4;
	s8 =	sshll.u32 s6, $0x7  }
0xd: {  	v0 =	vlaneseq.u32;
	s24 =	sshrl.u32 s5, $0x1;
	s23 =	sadd.s32 s7, s0;
	s0 =	sadd.s32 s8, s0  }
.Ltmp0:
0xe: {  	v1 =	vmul.u32 $0x80, v0;
	s9 =	ssub.s32 s5, s24;
	s7 =	sadd.s32 s3, s8;
	(pc) =	sbr.rel .LBB2_1-.Ltmp0, $4  }
0xf: {  	vm0 =	vmmov $0x1;
	vm1 =	vcmask $0x308;
	s24 =	simm.s32 $0x5;
	s3 =	simm.s32 $0x8000;
	s25 =	sadd.s32 $0x1C00, s23  }
0x10: {  	vm2 =	vcmask $0x70C;
	vm3 =	vcmask $0xB10;
	v2 =	vor.u32 $0x800, v1;
	s26 =	sadd.s32 $0x2000, s23;
	s8 =	sadd.s32 $0x2200, s0;
	s9 =	smax.u32 s9, $0x1  }
0x11: {  	v3 =	vor.u32 $0x1000, v1;
	v4 =	vor.u32 $0x1800, v1;
	v5 =	vor.u32 $0x2000, v1;
	s23 =	simm.s32 $0x8100;
	s0 =	simm.s32 $0x8;
	[dreg:$0x5] =	wrdreg s25  }
0x12: {  	v6 =	vor.u32 $0x2800, v1;
	v7 =	vor.u32 $0x3000, v1;
	v8 =	vor.u32 $0x3800, v1;
	[dreg:$0x6] =	wrdreg s26;
	s25 =	simm.s32 $0x9100;
	s26 =	simm.s32 $0x2  }
.LBB2_4:
0x13: {  	[hbm4b:s7+s13] =	stream.strided.scatter [tilespmem:s23], [sflag:$0x9], $0x1000, s3, s13, $0x38;
	[tilespmem:$0xA100] =	vst v63  }
0x14: {  	s11 =	sadd.s32 $0x1, s11;
	_ =	swait.ge [sflag:s10], $0x1000  }
0x15: {  	p0 =	sne.s32 s11, s9;
	[sflag:s10] =	ssyncset.done $0x0  }
.Ltmp1:
0x16: {  	[sflag:s10] =	ssyncadd.s32 $0xFFFFF000;
	(pc) =	sbr.rel @!p0 .LBB2_5-.Ltmp1, $4  }
0x17: {  	[hbm4b:s8+s13] =	stream.strided.scatter [tilespmem:s25], [sflag:$0x9], $0x1000, s3, s13, $0x38;
	[tilespmem:$0xA100] =	vst v63  }
0x18: {  	_ =	swait.ge [sflag:s10], $0x1000  }
0x19: {  	[sflag:s10] =	ssyncset.done $0x0  }
0x1a: {  	[sflag:s10] =	ssyncadd.s32 $0xFFFFF000  }
.LBB2_1:
0x1b: {  	s4 =	simm.s32 $0x0;
	s5 =	rddreg [dreg:$0x5]  }
0x1c: {  	[tilespmem:s4], [sflag:$0x9] =	stream.linear.gather [hbm4b:s5+s4], $0x80, $0x38;
	[tilespmem:$0xA100] =	vst v63  }
0x1d: {  	_ =	swait.ge [sflag:s10], $0x80  }
0x1e: {  	[sflag:s10] =	ssyncset.done $0x0  }
0x1f: {  	s6 =	simm.s32 $0x80;
	s20 =	rddreg [dreg:$0x6];
	[sflag:s10] =	ssyncadd.s32 $0xFFFFFF80  }
0x20: {  	[tilespmem:s6], [sflag:$0x9] =	stream.linear.gather [hbm4b:s20+s4], $0x80, $0x38;
	[tilespmem:$0xA100] =	vst v63  }
0x21: {  	_ =	swait.ge [sflag:s10], $0x80  }
0x22: {  	[sflag:s10] =	ssyncset.done $0x0  }
0x23: {  	[sflag:s10] =	ssyncadd.s32 $0xFFFFFF80  }
0x24: {  	v9 =	vld [tilespmem:$0x0];
	_ =	sdelay $0x4  }
0x25: {  	v9 =	vnsel vm0, $0x0, v9  }
0x26: {  	(xrf0) =	vadd.scan.msk.s32 $0xffff, v9;
	_ =	sdelay $0x5  }
0x27: {  	v9, _, _ =	vpop (xrf0)  }
0x28: {  	(v2sf) =	vpush v9, $0xF;
	_ =	sdelay $0xe  }
0x29: {  	s17 =	spop (v2sf)  }
0x2a: {  	s18 =	sand.u32 $0x7F, s17  }
0x2b: {  	s6 =	sshra.s32 s17, $0x1F;
	p1 =	slt.s32 s17, $0x1;
	p0 =	sne.s32 s18, $0x0  }
0x2c: {  	s18 =	sshrl.u32 s6, $0x19;
	p0 =	por !p1, !p0  }
0x2d: {  	s17 =	sadd.s32 s18, s17;
	s18 =	simm.s32 $0x1;
	p0 =	por !p0, !p0  }
0x2e: {  	s17 =	sshrl.u32 s17, $0x7;
	s18 =	simm.s32 @!p0 $0x0  }
0x2f: {  	s17 =	ssub.s32 s17, s18  }
0x30: {  	s17 =	sshll.u32 s17, $0x7  }
0x31: {  	s17 =	sand.u32 $0x1FFFFF80, s17  }
0x32: {  	s17 =	sadd.s32 s1, s17  }
0x33: {  	[tilespmem:s15], [sflag:$0x1] =	stream.strided.gather [hbm4b:s17+s13], $0x1000, s14, s13, $0x38;
	[tilespmem:$0xA100] =	vst v63  }
0x34: {  	v9 =	vld [tilespmem:$0x80];
	_ =	sdelay $0x4  }
0x35: {  	v9 =	vnsel vm0, $0x0, v9  }
0x36: {  	(xrf0) =	vadd.scan.msk.s32 $0xffff, v9;
	_ =	sdelay $0x5  }
0x37: {  	v9, _, _ =	vpop (xrf0)  }
0x38: {  	(v2sf) =	vpush v9, $0xF;
	_ =	sdelay $0xe  }
0x39: {  	s19 =	spop (v2sf)  }
0x3a: {  	s20 =	sand.u32 $0x7F, s19  }
0x3b: {  	s4 =	sshra.s32 s19, $0x1F;
	p6 =	slt.s32 s19, $0x1;
	p5 =	sne.s32 s20, $0x0  }
0x3c: {  	s18 =	sshrl.u32 s4, $0x19;
	p0 =	por !p6, !p5  }
0x3d: {  	s17 =	sadd.s32 s18, s19;
	s18 =	simm.s32 $0x1;
	p0 =	por !p0, !p0  }
0x3e: {  	s17 =	sshrl.u32 s17, $0x7;
	s18 =	simm.s32 @!p0 $0x0  }
0x3f: {  	s17 =	ssub.s32 s17, s18  }
0x40: {  	s17 =	sshll.u32 s17, $0x7  }
0x41: {  	s17 =	sand.u32 $0x1FFFFF80, s17  }
0x42: {  	s17 =	sadd.s32 s2, s17  }
0x43: {  	[tilespmem:s16], [sflag:$0x5] =	stream.strided.gather [hbm4b:s17+s13], $0x1000, s14, s13, $0x38;
	[tilespmem:$0xA100] =	vst v63  }
0x44: {  	v9 =	vld [tilespmem:$0x0];
	_ =	sdelay $0x4  }
0x45: {  	v9 =	vsel vm1, $0x0, v9  }
0x46: {  	(xrf0) =	vadd.scan.msk.s32 $0xffff, v9;
	_ =	sdelay $0x5  }
0x47: {  	v9, _, _ =	vpop (xrf0)  }
0x48: {  	(v2sf) =	vpush v9, $0xF;
	_ =	sdelay $0xe  }
0x49: {  	s5 =	spop (v2sf)  }
0x4a: {  	s6 =	sand.u32 $0x7F, s5  }
0x4b: {  	s19 =	sshra.s32 s5, $0x1F;
	p2 =	slt.s32 s5, $0x1;
	p1 =	sne.s32 s6, $0x0  }
0x4c: {  	s18 =	sshrl.u32 s19, $0x19;
	p0 =	por !p2, !p1  }
0x4d: {  	s17 =	sadd.s32 s18, s5;
	s18 =	simm.s32 $0x1;
	p0 =	por !p0, !p0  }
0x4e: {  	s17 =	sshrl.u32 s17, $0x7;
	s18 =	simm.s32 @!p0 $0x0  }
0x4f: {  	s17 =	ssub.s32 s17, s18  }
0x50: {  	s17 =	sshll.u32 s17, $0x7  }
0x51: {  	s17 =	sand.u32 $0x1FFFFF80, s17  }
0x52: {  	s20 =	simm.s32 $0x1100;
	s17 =	sadd.s32 s1, s17  }
0x53: {  	[tilespmem:s20], [sflag:$0x2] =	stream.strided.gather [hbm4b:s17+s13], $0x1000, s14, s13, $0x38;
	[tilespmem:$0xA100] =	vst v63  }
0x54: {  	v9 =	vld [tilespmem:$0x80];
	_ =	sdelay $0x4  }
0x55: {  	v9 =	vsel vm1, $0x0, v9  }
0x56: {  	(xrf0) =	vadd.scan.msk.s32 $0xffff, v9;
	_ =	sdelay $0x5  }
0x57: {  	v9, _, _ =	vpop (xrf0)  }
0x58: {  	(v2sf) =	vpush v9, $0xF;
	_ =	sdelay $0xe  }
0x59: {  	s5 =	spop (v2sf)  }
0x5a: {  	s6 =	sand.u32 $0x7F, s5  }
0x5b: {  	s19 =	sshra.s32 s5, $0x1F;
	p4 =	slt.s32 s5, $0x1;
	p3 =	sne.s32 s6, $0x0  }
0x5c: {  	s18 =	sshrl.u32 s19, $0x19;
	p0 =	por !p4, !p3  }
0x5d: {  	s17 =	sadd.s32 s18, s5;
	s18 =	simm.s32 $0x1;
	p0 =	por !p0, !p0  }
0x5e: {  	s17 =	sshrl.u32 s17, $0x7;
	s18 =	simm.s32 @!p0 $0x0  }
0x5f: {  	s17 =	ssub.s32 s17, s18  }
0x60: {  	s17 =	sshll.u32 s17, $0x7  }
0x61: {  	s17 =	sand.u32 $0x1FFFFF80, s17  }
0x62: {  	s20 =	simm.s32 $0x5100;
	s17 =	sadd.s32 s2, s17  }
0x63: {  	[tilespmem:s20], [sflag:$0x6] =	stream.strided.gather [hbm4b:s17+s13], $0x1000, s14, s13, $0x38;
	[tilespmem:$0xA100] =	vst v63  }
0x64: {  	v9 =	vld [tilespmem:$0x0];
	_ =	sdelay $0x4  }
0x65: {  	v9 =	vsel vm2, $0x0, v9  }
0x66: {  	(xrf0) =	vadd.scan.msk.s32 $0xffff, v9;
	_ =	sdelay $0x5  }
0x67: {  	v9, _, _ =	vpop (xrf0)  }
0x68: {  	(v2sf) =	vpush v9, $0xF;
	_ =	sdelay $0xe  }
0x69: {  	s5 =	spop (v2sf)  }
0x6a: {  	s6 =	sand.u32 $0x7F, s5  }
0x6b: {  	s19 =	sshra.s32 s5, $0x1F;
	p6 =	slt.s32 s5, $0x1;
	p5 =	sne.s32 s6, $0x0  }
0x6c: {  	s18 =	sshrl.u32 s19, $0x19;
	p0 =	por !p6, !p5  }
0x6d: {  	s17 =	sadd.s32 s18, s5;
	s18 =	simm.s32 $0x1;
	p0 =	por !p0, !p0  }
0x6e: {  	s17 =	sshrl.u32 s17, $0x7;
	s18 =	simm.s32 @!p0 $0x0  }
0x6f: {  	s17 =	ssub.s32 s17, s18  }
0x70: {  	s17 =	sshll.u32 s17, $0x7  }
0x71: {  	s17 =	sand.u32 $0x1FFFFF80, s17  }
0x72: {  	s20 =	simm.s32 $0x2100;
	s17 =	sadd.s32 s1, s17  }
0x73: {  	[tilespmem:s20], [sflag:$0x3] =	stream.strided.gather [hbm4b:s17+s13], $0x1000, s14, s13, $0x38;
	[tilespmem:$0xA100] =	vst v63  }
0x74: {  	v9 =	vld [tilespmem:$0x80];
	_ =	sdelay $0x4  }
0x75: {  	v9 =	vsel vm2, $0x0, v9  }
0x76: {  	(xrf0) =	vadd.scan.msk.s32 $0xffff, v9;
	_ =	sdelay $0x5  }
0x77: {  	v9, _, _ =	vpop (xrf0)  }
0x78: {  	(v2sf) =	vpush v9, $0xF;
	_ =	sdelay $0xe  }
0x79: {  	s4 =	spop (v2sf)  }
0x7a: {  	s5 =	sand.u32 $0x7F, s4  }
0x7b: {  	s6 =	sshra.s32 s4, $0x1F;
	p2 =	slt.s32 s4, $0x1;
	p1 =	sne.s32 s5, $0x0  }
0x7c: {  	s18 =	sshrl.u32 s6, $0x19;
	p0 =	por !p2, !p1  }
0x7d: {  	s17 =	sadd.s32 s18, s4;
	s18 =	simm.s32 $0x1;
	p0 =	por !p0, !p0  }
0x7e: {  	s17 =	sshrl.u32 s17, $0x7;
	s18 =	simm.s32 @!p0 $0x0  }
0x7f: {  	s17 =	ssub.s32 s17, s18  }
0x80: {  	s17 =	sshll.u32 s17, $0x7  }
0x81: {  	s17 =	sand.u32 $0x1FFFFF80, s17  }
0x82: {  	s19 =	simm.s32 $0x6100;
	s17 =	sadd.s32 s2, s17  }
0x83: {  	[tilespmem:s19], [sflag:$0x7] =	stream.strided.gather [hbm4b:s17+s13], $0x1000, s14, s13, $0x38;
	[tilespmem:$0xA100] =	vst v63  }
0x84: {  	v9 =	vld [tilespmem:$0x0];
	_ =	sdelay $0x4  }
0x85: {  	v9 =	vsel vm3, $0x0, v9  }
0x86: {  	(xrf0) =	vadd.scan.msk.s32 $0xffff, v9;
	_ =	sdelay $0x5  }
0x87: {  	v9, _, _ =	vpop (xrf0)  }
0x88: {  	(v2sf) =	vpush v9, $0xF;
	_ =	sdelay $0xe  }
0x89: {  	s20 =	spop (v2sf)  }
0x8a: {  	s4 =	sand.u32 $0x7F, s20  }
0x8b: {  	s5 =	sshra.s32 s20, $0x1F;
	p4 =	slt.s32 s20, $0x1;
	p3 =	sne.s32 s4, $0x0  }
0x8c: {  	s18 =	sshrl.u32 s5, $0x19;
	p0 =	por !p4, !p3  }
0x8d: {  	s17 =	sadd.s32 s18, s20;
	s18 =	simm.s32 $0x1;
	p0 =	por !p0, !p0  }
0x8e: {  	s17 =	sshrl.u32 s17, $0x7;
	s18 =	simm.s32 @!p0 $0x0  }
0x8f: {  	s17 =	ssub.s32 s17, s18  }
0x90: {  	s17 =	sshll.u32 s17, $0x7  }
0x91: {  	s17 =	sand.u32 $0x1FFFFF80, s17  }
0x92: {  	s17 =	sadd.s32 s1, s17  }
0x93: {  	[tilespmem:s21], [sflag:$0x4] =	stream.strided.gather [hbm4b:s17+s13], $0x1000, s14, s13, $0x38;
	[tilespmem:$0xA100] =	vst v63  }
0x94: {  	v9 =	vld [tilespmem:$0x80];
	_ =	sdelay $0x4  }
0x95: {  	v9 =	vsel vm3, $0x0, v9  }
0x96: {  	(xrf0) =	vadd.scan.msk.s32 $0xffff, v9;
	_ =	sdelay $0x5  }
0x97: {  	v9, _, _ =	vpop (xrf0)  }
0x98: {  	(v2sf) =	vpush v9, $0xF;
	_ =	sdelay $0xe  }
0x99: {  	s6 =	spop (v2sf)  }
0x9a: {  	s19 =	sand.u32 $0x7F, s6  }
0x9b: {  	s20 =	sshra.s32 s6, $0x1F;
	p6 =	slt.s32 s6, $0x1;
	p5 =	sne.s32 s19, $0x0  }
0x9c: {  	s18 =	sshrl.u32 s20, $0x19;
	p0 =	por !p6, !p5  }
0x9d: {  	s17 =	sadd.s32 s18, s6;
	s18 =	simm.s32 $0x1;
	p0 =	por !p0, !p0  }
0x9e: {  	s17 =	sshrl.u32 s17, $0x7;
	s18 =	simm.s32 @!p0 $0x0  }
0x9f: {  	s17 =	ssub.s32 s17, s18  }
0xa0: {  	s17 =	sshll.u32 s17, $0x7  }
0xa1: {  	s17 =	sand.u32 $0x1FFFFF80, s17  }
0xa2: {  	s17 =	sadd.s32 s2, s17  }
0xa3: {  	[tilespmem:s22], [sflag:$0x8] =	stream.strided.gather [hbm4b:s17+s13], $0x1000, s14, s13, $0x38;
	[tilespmem:$0xA100] =	vst v63  }
0xa4: {  	s17 =	simm.s32 $0x0  }
.LBB2_2:
0xa5: {  	_ =	swait.ge [sflag:s12], $0x1000  }
0xa6: {  	[sflag:s12] =	ssyncset.done $0x0  }
0xa7: {  	s18 =	sand.u32 $0x70, s17;
	[sflag:s12] =	ssyncadd.s32 $0xFFFFF000  }
0xa8: {  	v9 =	vld [tilespmem:s18+$0x0];
	_ =	sdelay $0x1  }
0xa9: {  	s19 =	sand.u32 $0xC, s17  }
0xaa: {  	v10 =	vmov s19  }
0xab: {  	vm4 =	veq.s32 v10, v0  }
0xac: {  	v9 =	vnsel vm4, $0x0, v9  }
0xad: {  	(xrf0) =	vadd.scan.msk.s32 $0xffff, v9;
	_ =	sdelay $0x5  }
0xae: {  	v9, _, _ =	vpop (xrf0)  }
0xaf: {  	(v2sf) =	vpush v9, $0xF;
	_ =	sdelay $0xe  }
0xb0: {  	s6 =	spop (v2sf)  }
0xb1: {  	s20 =	sshra.s32 s6, $0x1F  }
0xb2: {  	s20 =	sshrl.u32 s20, $0x19  }
0xb3: {  	s20 =	sadd.s32 s20, s6  }
0xb4: {  	s20 =	sand.u32 $0xFFFFFF80, s20  }
0xb5: {  	s19 =	ssub.s32 s6, s20  }
0xb6: {  	v9 =	vadd.s32 s19, v1  }
0xb7: {  	v10 =	vmov s17;
	v11 =	vadd.s32 s19, v2  }
0xb8: {  	v10 =	vand.u32 $0x7C, v10  }
0xb9: {  	v10 =	vbroadcast v10, $0x0;
	_ =	sdelay $0x1  }
0xba: {  	v12 =	vor.u32 v1, v10;
	v9 =	vld.idx.msk [tilespmem:v9+s15+$0x0], $0xffff  }
0xbb: {  	v10 =	vor.u32 v2, v10;
	v11 =	vld.idx.msk [tilespmem:v11+s15+$0x0], $0xffff;
	_ =	sdelay $0x3  }
0xbc: {  	[tilespmem:v12+s23+$0x0] =	vst.idx.msk $0xffff, v9  }
0xbd: {  	[tilespmem:v10+s23+$0x0] =	vst.idx.msk $0xffff, v11  }
0xbe: {  	_ =	swait.ge [sflag:s24], $0x1000  }
0xbf: {  	[sflag:s24] =	ssyncset.done $0x0  }
0xc0: {  	[sflag:s24] =	ssyncadd.s32 $0xFFFFF000  }
0xc1: {  	v9 =	vld [tilespmem:s18+$0x80];
	_ =	sdelay $0x4  }
0xc2: {  	v9 =	vnsel vm4, $0x0, v9  }
0xc3: {  	(xrf0) =	vadd.scan.msk.s32 $0xffff, v9;
	_ =	sdelay $0x5  }
0xc4: {  	v9, _, _ =	vpop (xrf0)  }
0xc5: {  	(v2sf) =	vpush v9, $0xF;
	_ =	sdelay $0xe  }
0xc6: {  	s4 =	spop (v2sf)  }
0xc7: {  	s5 =	sshra.s32 s4, $0x1F  }
0xc8: {  	s20 =	sshrl.u32 s5, $0x19  }
0xc9: {  	s20 =	sadd.s32 s20, s4  }
0xca: {  	s20 =	sand.u32 $0xFFFFFF80, s20  }
0xcb: {  	s19 =	ssub.s32 s4, s20  }
0xcc: {  	v9 =	vadd.s32 s19, v1  }
0xcd: {  	v11 =	vadd.s32 s19, v2;
	_ =	sdelay $0x3  }
0xce: {  	v9 =	vld.idx.msk [tilespmem:v9+s16+$0x0], $0xffff  }
0xcf: {  	v11 =	vld.idx.msk [tilespmem:v11+s16+$0x0], $0xffff;
	_ =	sdelay $0x2  }
0xd0: {  	p0 =	seq.s32 s17, $0x7C  }
0xd1: {  	s19 =	sadd.s32 @!p0 $0x4, s17;
	[tilespmem:v12+s25+$0x0] =	vst.idx.msk $0xffff, v9  }
0xd2: {  	s4 =	sand.u32 @!p0 $0xF0, s19;
	[tilespmem:v10+s25+$0x0] =	vst.idx.msk $0xffff, v11  }
0xd3: {  	v10 =	vld @!p0 [tilespmem:s4+$0x0];
	_ =	sdelay $0x1  }
0xd4: {  	s19 =	sand.u32 @!p0 $0xC, s19  }
0xd5: {  	v9 =	vlaneseq.u32 @!p0;
	v11 =	vmov @!p0 s19  }
0xd6: {  	vm4 =	veq.s32 @!p0 v11, v9  }
0xd7: {  	v10 =	vnsel @!p0 vm4, $0x0, v10  }
0xd8: {  	(xrf0) =	vadd.scan.msk.s32 @!p0 $0xffff, v10;
	_ =	sdelay $0x5  }
0xd9: {  	v10, _, _ =	vpop @!p0 (xrf0)  }
0xda: {  	(v2sf) =	vpush @!p0 v10, $0xF;
	_ =	sdelay $0xe  }
0xdb: {  	s19 =	spop @!p0 (v2sf)  }
0xdc: {  	s20 =	sand.u32 @!p0 $0x7F, s19  }
0xdd: {  	p1 =	slt.s32 @!p0 s19, $0x1;
	p2 =	sne.s32 @!p0 s20, $0x0  }
0xde: {  	s20 =	sshra.s32 @!p0 s19, $0x1F;
	p1 =	por @!p0 !p1, !p2  }
0xdf: {  	s20 =	sshrl.u32 @!p0 s20, $0x19;
	p1 =	por @!p0 !p1, !p1  }
0xe0: {  	s19 =	sadd.s32 @!p0 s20, s19;
	s20 =	simm.s32 @!p0 $0x1;
	p1 =	por !p1, p0  }
0xe1: {  	s19 =	sshrl.u32 @!p0 s19, $0x7;
	s20 =	simm.s32 @p1 $0x0  }
0xe2: {  	s19 =	ssub.s32 @!p0 s19, s20  }
0xe3: {  	s19 =	sshll.u32 @!p0 s19, $0x7  }
0xe4: {  	s6 =	simm.s32 @!p0 $0x100;
	s19 =	sand.u32 @!p0 $0x1FFFFF80, s19  }
0xe5: {  	s20 =	simm.s32 @!p0 $0x7A1400;
	s5 =	sadd.s32 @!p0 s1, s19;
	s19 =	simm.s32 @!p0 $0x400  }
0xe6: {  	[tilespmem:s6], [sflag:$0x1] =	stream.strided.gather @!p0 [hbm4b:s5+s19], $0x1000, s20, s19, $0x38;
	[tilespmem:$0xA100] =	vst v63  }
0xe7: {  	v10 =	vld @!p0 [tilespmem:s4+$0x80];
	_ =	sdelay $0x4  }
0xe8: {  	v10 =	vnsel @!p0 vm4, $0x0, v10  }
0xe9: {  	(xrf0) =	vadd.scan.msk.s32 @!p0 $0xffff, v10;
	_ =	sdelay $0x5  }
0xea: {  	v10, _, _ =	vpop @!p0 (xrf0)  }
0xeb: {  	(v2sf) =	vpush @!p0 v10, $0xF;
	_ =	sdelay $0xe  }
0xec: {  	s4 =	spop @!p0 (v2sf)  }
0xed: {  	s5 =	sand.u32 @!p0 $0x7F, s4  }
0xee: {  	p1 =	slt.s32 @!p0 s4, $0x1;
	p2 =	sne.s32 @!p0 s5, $0x0  }
0xef: {  	s5 =	sshra.s32 @!p0 s4, $0x1F;
	p1 =	por @!p0 !p1, !p2  }
0xf0: {  	s5 =	sshrl.u32 @!p0 s5, $0x19;
	p1 =	por @!p0 !p1, !p1  }
0xf1: {  	s4 =	sadd.s32 @!p0 s5, s4;
	s5 =	simm.s32 @!p0 $0x1;
	p1 =	por !p1, p0  }
0xf2: {  	s4 =	sshrl.u32 @!p0 s4, $0x7;
	s5 =	simm.s32 @p1 $0x0  }
0xf3: {  	s4 =	ssub.s32 @!p0 s4, s5  }
0xf4: {  	s4 =	sshll.u32 @!p0 s4, $0x7  }
0xf5: {  	s4 =	sand.u32 @!p0 $0x1FFFFF80, s4  }
0xf6: {  	s5 =	simm.s32 @!p0 $0x4100;
	s4 =	sadd.s32 @!p0 s2, s4  }
0xf7: {  	[tilespmem:s5], [sflag:$0x5] =	stream.strided.gather @!p0 [hbm4b:s4+s19], $0x1000, s20, s19, $0x38;
	[tilespmem:$0xA100] =	vst v63  }
0xf8: {  	_ =	swait.ge [sflag:s26], $0x1000  }
0xf9: {  	[sflag:s26] =	ssyncset.done $0x0  }
0xfa: {  	[sflag:s26] =	ssyncadd.s32 $0xFFFFF000  }
0xfb: {  	v10 =	vld [tilespmem:s18+$0x0]  }
0xfc: {  	s4 =	sadd.s32 $0x1, s17  }
0xfd: {  	s6 =	sand.u32 $0xD, s4  }
0xfe: {  	v11 =	vmov s6  }
0xff: {  	vm4 =	veq.s32 v11, v0  }
0x100: {  	v10 =	vnsel vm4, $0x0, v10  }
0x101: {  	(xrf0) =	vadd.scan.msk.s32 $0xffff, v10;
	_ =	sdelay $0x5  }
0x102: {  	v10, _, _ =	vpop (xrf0)  }
0x103: {  	(v2sf) =	vpush v10, $0xF;
	_ =	sdelay $0xe  }
0x104: {  	s5 =	spop (v2sf)  }
0x105: {  	s6 =	sshra.s32 s5, $0x1F  }
0x106: {  	s6 =	sshrl.u32 s6, $0x19  }
0x107: {  	s6 =	sadd.s32 s6, s5  }
0x108: {  	s6 =	sand.u32 $0xFFFFFF80, s6  }
0x109: {  	s5 =	ssub.s32 s5, s6  }
0x10a: {  	v10 =	vadd.s32 s5, v3  }
0x10b: {  	v11 =	vmov s4;
	v58 =	vadd.s32 s5, v4  }
0x10c: {  	v11 =	vand.u32 $0x7D, v11  }
0x10d: {  	v11 =	vbroadcast v11, $0x0;
	_ =	sdelay $0x1  }
0x10e: {  	v13 =	vor.u32 v1, v11;
	v10 =	vld.idx.msk [tilespmem:v10+s15+$0x0], $0xffff  }
0x10f: {  	v11 =	vor.u32 v2, v11;
	v12 =	vld.idx.msk [tilespmem:v58+s15+$0x0], $0xffff;
	_ =	sdelay $0x3  }
0x110: {  	[tilespmem:v13+s23+$0x0] =	vst.idx.msk $0xffff, v10  }
0x111: {  	[tilespmem:v11+s23+$0x0] =	vst.idx.msk $0xffff, v12  }
0x112: {  	_ =	swait.ge [sflag:s28], $0x1000  }
0x113: {  	[sflag:s28] =	ssyncset.done $0x0  }
0x114: {  	[sflag:s28] =	ssyncadd.s32 $0xFFFFF000  }
0x115: {  	v10 =	vld [tilespmem:s18+$0x80];
	_ =	sdelay $0x4  }
0x116: {  	v10 =	vnsel vm4, $0x0, v10  }
0x117: {  	(xrf0) =	vadd.scan.msk.s32 $0xffff, v10;
	_ =	sdelay $0x5  }
0x118: {  	v10, _, _ =	vpop (xrf0)  }
0x119: {  	(v2sf) =	vpush v10, $0xF;
	_ =	sdelay $0xe  }
0x11a: {  	s4 =	spop (v2sf)  }
0x11b: {  	s6 =	sshra.s32 s4, $0x1F  }
0x11c: {  	s5 =	sshrl.u32 s6, $0x19  }
0x11d: {  	s5 =	sadd.s32 s5, s4  }
0x11e: {  	s5 =	sand.u32 $0xFFFFFF80, s5  }
0x11f: {  	s4 =	ssub.s32 s4, s5  }
0x120: {  	v10 =	vadd.s32 s4, v3  }
0x121: {  	v59 =	vadd.s32 s4, v4;
	_ =	sdelay $0x3  }
0x122: {  	v10 =	vld.idx.msk [tilespmem:v10+s16+$0x0], $0xffff  }
0x123: {  	v12 =	vld.idx.msk [tilespmem:v59+s16+$0x0], $0xffff;
	_ =	sdelay $0x3  }
0x124: {  	s4 =	sadd.s32 @!p0 $0x5, s17;
	[tilespmem:v13+s25+$0x0] =	vst.idx.msk $0xffff, v10  }
0x125: {  	s5 =	sand.u32 @!p0 $0xF0, s4;
	[tilespmem:v11+s25+$0x0] =	vst.idx.msk $0xffff, v12  }
0x126: {  	v10 =	vld @!p0 [tilespmem:s5+$0x0];
	_ =	sdelay $0x1  }
0x127: {  	s4 =	sand.u32 @!p0 $0xD, s4  }
0x128: {  	v11 =	vmov @!p0 s4  }
0x129: {  	vm4 =	veq.s32 @!p0 v11, v9  }
0x12a: {  	v10 =	vnsel @!p0 vm4, $0x0, v10  }
0x12b: {  	(xrf0) =	vadd.scan.msk.s32 @!p0 $0xffff, v10;
	_ =	sdelay $0x5  }
0x12c: {  	v10, _, _ =	vpop @!p0 (xrf0)  }
0x12d: {  	(v2sf) =	vpush @!p0 v10, $0xF;
	_ =	sdelay $0xe  }
0x12e: {  	s4 =	spop @!p0 (v2sf)  }
0x12f: {  	s6 =	sand.u32 @!p0 $0x7F, s4  }
0x130: {  	p1 =	slt.s32 @!p0 s4, $0x1;
	p2 =	sne.s32 @!p0 s6, $0x0  }
0x131: {  	s6 =	sshra.s32 @!p0 s4, $0x1F;
	p1 =	por @!p0 !p1, !p2  }
0x132: {  	s6 =	sshrl.u32 @!p0 s6, $0x19;
	p1 =	por @!p0 !p1, !p1  }
0x133: {  	s4 =	sadd.s32 @!p0 s6, s4;
	s6 =	simm.s32 @!p0 $0x1;
	p1 =	por !p1, p0  }
0x134: {  	s4 =	sshrl.u32 @!p0 s4, $0x7;
	s6 =	simm.s32 @p1 $0x0  }
0x135: {  	s4 =	ssub.s32 @!p0 s4, s6  }
0x136: {  	s4 =	sshll.u32 @!p0 s4, $0x7  }
0x137: {  	s4 =	sand.u32 @!p0 $0x1FFFFF80, s4  }
0x138: {  	s6 =	simm.s32 @!p0 $0x1100;
	s4 =	sadd.s32 @!p0 s1, s4  }
0x139: {  	[tilespmem:s6], [sflag:$0x2] =	stream.strided.gather @!p0 [hbm4b:s4+s19], $0x1000, s20, s19, $0x38;
	[tilespmem:$0xA100] =	vst v63  }
0x13a: {  	v10 =	vld @!p0 [tilespmem:s5+$0x80];
	_ =	sdelay $0x4  }
0x13b: {  	v10 =	vnsel @!p0 vm4, $0x0, v10  }
0x13c: {  	(xrf0) =	vadd.scan.msk.s32 @!p0 $0xffff, v10;
	_ =	sdelay $0x5  }
0x13d: {  	v10, _, _ =	vpop @!p0 (xrf0)  }
0x13e: {  	(v2sf) =	vpush @!p0 v10, $0xF;
	_ =	sdelay $0xe  }
0x13f: {  	s4 =	spop @!p0 (v2sf)  }
0x140: {  	s5 =	sand.u32 @!p0 $0x7F, s4  }
0x141: {  	p1 =	slt.s32 @!p0 s4, $0x1;
	p2 =	sne.s32 @!p0 s5, $0x0  }
0x142: {  	s5 =	sshra.s32 @!p0 s4, $0x1F;
	p1 =	por @!p0 !p1, !p2  }
0x143: {  	s5 =	sshrl.u32 @!p0 s5, $0x19;
	p1 =	por @!p0 !p1, !p1  }
0x144: {  	s4 =	sadd.s32 @!p0 s5, s4;
	s5 =	simm.s32 @!p0 $0x1;
	p1 =	por !p1, p0  }
0x145: {  	s4 =	sshrl.u32 @!p0 s4, $0x7;
	s5 =	simm.s32 @p1 $0x0  }
0x146: {  	s4 =	ssub.s32 @!p0 s4, s5  }
0x147: {  	s4 =	sshll.u32 @!p0 s4, $0x7  }
0x148: {  	s4 =	sand.u32 @!p0 $0x1FFFFF80, s4  }
0x149: {  	s5 =	simm.s32 @!p0 $0x5100;
	s4 =	sadd.s32 @!p0 s2, s4  }
0x14a: {  	[tilespmem:s5], [sflag:$0x6] =	stream.strided.gather @!p0 [hbm4b:s4+s19], $0x1000, s20, s19, $0x38;
	[tilespmem:$0xA100] =	vst v63  }
0x14b: {  	_ =	swait.ge [sflag:s29], $0x1000  }
0x14c: {  	[sflag:s29] =	ssyncset.done $0x0  }
0x14d: {  	[sflag:s29] =	ssyncadd.s32 $0xFFFFF000  }
0x14e: {  	v10 =	vld [tilespmem:s18+$0x0]  }
0x14f: {  	s4 =	sadd.s32 $0x2, s17  }
0x150: {  	s6 =	sand.u32 $0xE, s4  }
0x151: {  	v11 =	vmov s6  }
0x152: {  	vm4 =	veq.s32 v11, v0  }
0x153: {  	v10 =	vnsel vm4, $0x0, v10  }
0x154: {  	(xrf0) =	vadd.scan.msk.s32 $0xffff, v10;
	_ =	sdelay $0x5  }
0x155: {  	v10, _, _ =	vpop (xrf0)  }
0x156: {  	(v2sf) =	vpush v10, $0xF;
	_ =	sdelay $0xe  }
0x157: {  	s5 =	spop (v2sf)  }
0x158: {  	s6 =	sshra.s32 s5, $0x1F  }
0x159: {  	s6 =	sshrl.u32 s6, $0x19  }
0x15a: {  	s6 =	sadd.s32 s6, s5  }
0x15b: {  	s6 =	sand.u32 $0xFFFFFF80, s6  }
0x15c: {  	s5 =	ssub.s32 s5, s6  }
0x15d: {  	v10 =	vadd.s32 s5, v5  }
0x15e: {  	v11 =	vmov s4;
	v60 =	vadd.s32 s5, v6  }
0x15f: {  	v11 =	vand.u32 $0x7E, v11  }
0x160: {  	v11 =	vbroadcast v11, $0x0;
	_ =	sdelay $0x1  }
0x161: {  	v61 =	vor.u32 v1, v11;
	v10 =	vld.idx.msk [tilespmem:v10+s15+$0x0], $0xffff  }
0x162: {  	v11 =	vor.u32 v2, v11;
	v12 =	vld.idx.msk [tilespmem:v60+s15+$0x0], $0xffff;
	_ =	sdelay $0x3  }
0x163: {  	[tilespmem:v61+s23+$0x0] =	vst.idx.msk $0xffff, v10  }
0x164: {  	[tilespmem:v11+s23+$0x0] =	vst.idx.msk $0xffff, v12  }
0x165: {  	_ =	swait.ge [sflag:s30], $0x1000  }
0x166: {  	[sflag:s30] =	ssyncset.done $0x0  }
0x167: {  	[sflag:s30] =	ssyncadd.s32 $0xFFFFF000  }
0x168: {  	v10 =	vld [tilespmem:s18+$0x80];
	_ =	sdelay $0x4  }
0x169: {  	v10 =	vnsel vm4, $0x0, v10  }
0x16a: {  	(xrf0) =	vadd.scan.msk.s32 $0xffff, v10;
	_ =	sdelay $0x5  }
0x16b: {  	v10, _, _ =	vpop (xrf0)  }
0x16c: {  	(v2sf) =	vpush v10, $0xF;
	_ =	sdelay $0xe  }
0x16d: {  	s4 =	spop (v2sf)  }
0x16e: {  	s6 =	sshra.s32 s4, $0x1F  }
0x16f: {  	s5 =	sshrl.u32 s6, $0x19  }
0x170: {  	s5 =	sadd.s32 s5, s4  }
0x171: {  	s5 =	sand.u32 $0xFFFFFF80, s5  }
0x172: {  	s4 =	ssub.s32 s4, s5  }
0x173: {  	v10 =	vadd.s32 s4, v5  }
0x174: {  	v62 =	vadd.s32 s4, v6;
	_ =	sdelay $0x3  }
0x175: {  	v10 =	vld.idx.msk [tilespmem:v10+s16+$0x0], $0xffff  }
0x176: {  	v12 =	vld.idx.msk [tilespmem:v62+s16+$0x0], $0xffff;
	_ =	sdelay $0x3  }
0x177: {  	s4 =	sadd.s32 @!p0 $0x6, s17;
	[tilespmem:v61+s25+$0x0] =	vst.idx.msk $0xffff, v10  }
0x178: {  	s5 =	sand.u32 @!p0 $0xF0, s4;
	[tilespmem:v11+s25+$0x0] =	vst.idx.msk $0xffff, v12  }
0x179: {  	v10 =	vld @!p0 [tilespmem:s5+$0x0];
	_ =	sdelay $0x1  }
0x17a: {  	s4 =	sand.u32 @!p0 $0xE, s4  }
0x17b: {  	v11 =	vmov @!p0 s4  }
0x17c: {  	vm4 =	veq.s32 @!p0 v11, v9  }
0x17d: {  	v9 =	vnsel @!p0 vm4, $0x0, v10  }
0x17e: {  	(xrf0) =	vadd.scan.msk.s32 @!p0 $0xffff, v9;
	_ =	sdelay $0x5  }
0x17f: {  	v9, _, _ =	vpop @!p0 (xrf0)  }
0x180: {  	(v2sf) =	vpush @!p0 v9, $0xF;
	_ =	sdelay $0xe  }
0x181: {  	s4 =	spop @!p0 (v2sf)  }
0x182: {  	s6 =	sand.u32 @!p0 $0x7F, s4  }
0x183: {  	p1 =	slt.s32 @!p0 s4, $0x1;
	p2 =	sne.s32 @!p0 s6, $0x0  }
0x184: {  	s6 =	sshra.s32 @!p0 s4, $0x1F;
	p1 =	por @!p0 !p1, !p2  }
0x185: {  	s6 =	sshrl.u32 @!p0 s6, $0x19;
	p1 =	por @!p0 !p1, !p1  }
0x186: {  	s4 =	sadd.s32 @!p0 s6, s4;
	s6 =	simm.s32 @!p0 $0x1;
	p1 =	por !p1, p0  }
0x187: {  	s4 =	sshrl.u32 @!p0 s4, $0x7;
	s6 =	simm.s32 @p1 $0x0  }
0x188: {  	s4 =	ssub.s32 @!p0 s4, s6  }
0x189: {  	s4 =	sshll.u32 @!p0 s4, $0x7  }
0x18a: {  	s4 =	sand.u32 @!p0 $0x1FFFFF80, s4  }
0x18b: {  	s6 =	simm.s32 @!p0 $0x2100;
	s4 =	sadd.s32 @!p0 s1, s4  }
0x18c: {  	[tilespmem:s6], [sflag:$0x3] =	stream.strided.gather @!p0 [hbm4b:s4+s19], $0x1000, s20, s19, $0x38;
	[tilespmem:$0xA100] =	vst v63  }
0x18d: {  	v9 =	vld @!p0 [tilespmem:s5+$0x80];
	_ =	sdelay $0x4  }
0x18e: {  	v9 =	vnsel @!p0 vm4, $0x0, v9  }
0x18f: {  	(xrf0) =	vadd.scan.msk.s32 @!p0 $0xffff, v9;
	_ =	sdelay $0x5  }
0x190: {  	v9, _, _ =	vpop @!p0 (xrf0)  }
0x191: {  	(v2sf) =	vpush @!p0 v9, $0xF;
	_ =	sdelay $0xe  }
0x192: {  	s4 =	spop @!p0 (v2sf)  }
0x193: {  	s5 =	sand.u32 @!p0 $0x7F, s4  }
0x194: {  	p1 =	slt.s32 @!p0 s4, $0x1;
	p2 =	sne.s32 @!p0 s5, $0x0  }
0x195: {  	s5 =	sshra.s32 @!p0 s4, $0x1F;
	p1 =	por @!p0 !p1, !p2  }
0x196: {  	s5 =	sshrl.u32 @!p0 s5, $0x19;
	p1 =	por @!p0 !p1, !p1  }
0x197: {  	s6 =	simm.s32 @!p0 $0x1;
	s4 =	sadd.s32 @!p0 s5, s4;
	p1 =	por !p1, p0  }
0x198: {  	s4 =	sshrl.u32 @!p0 s4, $0x7;
	s6 =	simm.s32 @p1 $0x0  }
0x199: {  	s4 =	ssub.s32 @!p0 s4, s6  }
0x19a: {  	s4 =	sshll.u32 @!p0 s4, $0x7  }
0x19b: {  	s4 =	sand.u32 @!p0 $0x1FFFFF80, s4  }
0x19c: {  	s5 =	simm.s32 @!p0 $0x6100;
	s4 =	sadd.s32 @!p0 s2, s4  }
0x19d: {  	[tilespmem:s5], [sflag:$0x7] =	stream.strided.gather @!p0 [hbm4b:s4+s19], $0x1000, s20, s19, $0x38;
	[tilespmem:$0xA100] =	vst v63  }
0x19e: {  	_ =	swait.ge [sflag:s31], $0x1000  }
0x19f: {  	[sflag:s31] =	ssyncset.done $0x0  }
0x1a0: {  	[sflag:s31] =	ssyncadd.s32 $0xFFFFF000  }
0x1a1: {  	v9 =	vld [tilespmem:s18+$0x0]  }
0x1a2: {  	s4 =	sadd.s32 $0x3, s17  }
0x1a3: {  	s6 =	sand.u32 $0xF, s4  }
0x1a4: {  	v10 =	vmov s6  }
0x1a5: {  	vm4 =	veq.s32 v10, v0  }
0x1a6: {  	v9 =	vnsel vm4, $0x0, v9  }
0x1a7: {  	(xrf0) =	vadd.scan.msk.s32 $0xffff, v9;
	_ =	sdelay $0x5  }
0x1a8: {  	v9, _, _ =	vpop (xrf0)  }
0x1a9: {  	(v2sf) =	vpush v9, $0xF;
	_ =	sdelay $0xe  }
0x1aa: {  	s19 =	spop (v2sf)  }
0x1ab: {  	s20 =	sshra.s32 s19, $0x1F  }
0x1ac: {  	s6 =	sshrl.u32 s20, $0x19  }
0x1ad: {  	s6 =	sadd.s32 s6, s19  }
0x1ae: {  	s6 =	sand.u32 $0xFFFFFF80, s6  }
0x1af: {  	s5 =	ssub.s32 s19, s6  }
0x1b0: {  	v9 =	vadd.s32 s5, v7  }
0x1b1: {  	v10 =	vmov s4;
	v11 =	vadd.s32 s5, v8  }
0x1b2: {  	v10 =	vand.u32 $0x7F, v10  }
0x1b3: {  	v10 =	vbroadcast v10, $0x0;
	_ =	sdelay $0x1  }
0x1b4: {  	v63 =	vor.u32 v1, v10;
	v9 =	vld.idx.msk [tilespmem:v9+s15+$0x0], $0xffff  }
0x1b5: {  	v10 =	vor.u32 v2, v10;
	v11 =	vld.idx.msk [tilespmem:v11+s15+$0x0], $0xffff;
	_ =	sdelay $0x3  }
0x1b6: {  	[tilespmem:v63+s23+$0x0] =	vst.idx.msk $0xffff, v9  }
0x1b7: {  	[tilespmem:v10+s23+$0x0] =	vst.idx.msk $0xffff, v11  }
0x1b8: {  	_ =	swait.ge [sflag:s0], $0x1000  }
0x1b9: {  	[sflag:s0] =	ssyncset.done $0x0  }
0x1ba: {  	[sflag:s0] =	ssyncadd.s32 $0xFFFFF000  }
0x1bb: {  	v9 =	vld [tilespmem:s18+$0x80];
	_ =	sdelay $0x4  }
0x1bc: {  	v9 =	vnsel vm4, $0x0, v9  }
0x1bd: {  	(xrf0) =	vadd.scan.msk.s32 $0xffff, v9;
	_ =	sdelay $0x5  }
0x1be: {  	v9, _, _ =	vpop (xrf0)  }
0x1bf: {  	(v2sf) =	vpush v9, $0xF;
	_ =	sdelay $0xe  }
0x1c0: {  	s19 =	spop (v2sf)  }
0x1c1: {  	s20 =	sshra.s32 s19, $0x1F  }
0x1c2: {  	s5 =	sshrl.u32 s20, $0x19  }
0x1c3: {  	s5 =	sadd.s32 s5, s19  }
0x1c4: {  	s5 =	sand.u32 $0xFFFFFF80, s5  }
0x1c5: {  	s4 =	ssub.s32 s19, s5  }
0x1c6: {  	v9 =	vadd.s32 s4, v7  }
0x1c7: {  	v11 =	vadd.s32 s4, v8;
	_ =	sdelay $0x3  }
0x1c8: {  	v9 =	vld.idx.msk [tilespmem:v9+s16+$0x0], $0xffff  }
0x1c9: {  	v11 =	vld.idx.msk [tilespmem:v11+s16+$0x0], $0xffff  }
.Ltmp2:
0x1ca: {  	_ = 	snop;
	(pc) =	sbr.rel @p0 .LBB2_4-.Ltmp2, $3  }
0x1cb: {  	_ =	sdelay $0x1  }
0x1cc: {  	[tilespmem:v63+s25+$0x0] =	vst.idx.msk $0xffff, v9  }
0x1cd: {  	[tilespmem:v10+s25+$0x0] =	vst.idx.msk $0xffff, v11  }
0x1ce: {  	s4 =	sadd.s32 $0x7, s17  }
0x1cf: {  	s5 =	sand.u32 $0xF0, s4  }
0x1d0: {  	v9 =	vld [tilespmem:s5+$0x0];
	_ =	sdelay $0x1  }
0x1d1: {  	s4 =	sand.u32 $0xF, s4  }
0x1d2: {  	v10 =	vmov s4  }
0x1d3: {  	vm4 =	veq.s32 v10, v0  }
0x1d4: {  	v9 =	vnsel vm4, $0x0, v9  }
0x1d5: {  	(xrf0) =	vadd.scan.msk.s32 $0xffff, v9;
	_ =	sdelay $0x5  }
0x1d6: {  	v9, _, _ =	vpop (xrf0)  }
0x1d7: {  	(v2sf) =	vpush v9, $0xF;
	_ =	sdelay $0xe  }
0x1d8: {  	s19 =	spop (v2sf)  }
0x1d9: {  	s6 =	sand.u32 $0x7F, s19  }
0x1da: {  	s20 =	sshra.s32 s19, $0x1F;
	p1 =	slt.s32 s19, $0x1;
	p0 =	sne.s32 s6, $0x0  }
0x1db: {  	s6 =	sshrl.u32 s20, $0x19;
	p0 =	por !p1, !p0  }
0x1dc: {  	s4 =	sadd.s32 s6, s19;
	s6 =	simm.s32 $0x1;
	p0 =	por !p0, !p0  }
0x1dd: {  	s4 =	sshrl.u32 s4, $0x7;
	s6 =	simm.s32 @!p0 $0x0  }
0x1de: {  	s4 =	ssub.s32 s4, s6  }
0x1df: {  	s4 =	sshll.u32 s4, $0x7  }
0x1e0: {  	s4 =	sand.u32 $0x1FFFFF80, s4  }
0x1e1: {  	s4 =	sadd.s32 s1, s4  }
0x1e2: {  	[tilespmem:s21], [sflag:$0x4] =	stream.strided.gather [hbm4b:s4+s13], $0x1000, s14, s13, $0x38;
	[tilespmem:$0xA100] =	vst v63  }
0x1e3: {  	v9 =	vld [tilespmem:s5+$0x80];
	_ =	sdelay $0x4  }
0x1e4: {  	v9 =	vnsel vm4, $0x0, v9  }
0x1e5: {  	(xrf0) =	vadd.scan.msk.s32 $0xffff, v9;
	_ =	sdelay $0x5  }
0x1e6: {  	v9, _, _ =	vpop (xrf0)  }
0x1e7: {  	(v2sf) =	vpush v9, $0xF;
	_ =	sdelay $0xe  }
0x1e8: {  	s4 =	spop (v2sf)  }
0x1e9: {  	s18 =	sand.u32 $0x7F, s4  }
0x1ea: {  	s19 =	sshra.s32 s4, $0x1F;
	p5 =	slt.s32 s4, $0x1;
	p6 =	sne.s32 s18, $0x0  }
0x1eb: {  	s20 =	sshrl.u32 s19, $0x19;
	p0 =	por !p5, !p6  }
0x1ec: {  	s5 =	simm.s32 $0x1;
	s4 =	sadd.s32 s20, s4;
	p0 =	por !p0, !p0  }
0x1ed: {  	s4 =	sshrl.u32 s4, $0x7;
	s5 =	simm.s32 @!p0 $0x0  }
.Ltmp3:
0x1ee: {  	s4 =	ssub.s32 s4, s5;
	(pc) =	sbr.rel .LBB2_2-.Ltmp3, $4  }
0x1ef: {  	s4 =	sshll.u32 s4, $0x7  }
0x1f0: {  	s4 =	sand.u32 $0x1FFFFF80, s4  }
0x1f1: {  	s17 =	sadd.s32 $0x4, s17;
	s4 =	sadd.s32 s2, s4  }
0x1f2: {  	[tilespmem:s22], [sflag:$0x8] =	stream.strided.gather [hbm4b:s4+s13], $0x1000, s14, s13, $0x38;
	[tilespmem:$0xA100] =	vst v63  }
.LBB2_5:
0x1f3: {  	_ =	sfence.sel $0x180000  }
0x1f4: {  	[bflag:$0x0] =	sbarrier.arrive $0xFFFF  }
0x1f5: {  	_ =	strace $0x90000047  }
0x1f6: {  	s0 =	stileid.u32;
	[bflag:$0x2] =	sbarrier.arrive $0xFFFF  }
0x1f7: {  	p0 =	sne.s32 s0, $0x0;
	s0 =	rddreg [dreg:$0x4]  }
0x1f8: {  	s0 =	sadd.s32 @!p0 $0x100000, s0  }
0x1f9: {  	[sflag:s0] =	ssyncadd.tile.s32 @!p0 $0x1;
	_ =	shalt  }
.Lfunc_end2:
_tile_overlayer_lowered:
.L_overlay_start_2:
0x1fa: {  	(tag) =	ssettag $0x2  }
0x1fb: {  	s0 =	rddreg [dreg:$0x0];
	s2 =	stileid.u32  }
0x1fc: {  	s1 =	rddreg [dreg:$0x1];
	p0 =	sne.s32 s2, $0x0  }
0x1fd: {  	s3 =	rddreg [dreg:$0x2];
	[bflag:$0x3] =	sbarrier.arrive $0xFFFF;
	s2 =	simm.s32 @!p0 $0x1C09  }
0x1fe: {  	[timem:s3], [sflag:s2] =	dma.local @!p0 [hbm:s0], s1  }
0x1ff: {  	s0 =	simm.s32 @!p0 $0x9  }
0x200: {  	_ =	swait.ge @!p0 [sflag:s0], s1  }
0x201: {  	s1 =	ssub.s32 @!p0 $0x0, s1;
	[sflag:s0] =	ssyncset.done @!p0 $0x0  }
0x202: {  	[sflag:s0] =	ssyncadd.s32 @!p0 s1  }
0x203: {  	[bflag:$0x3] =	sbarrier.arrive $0xFFFF  }
0x204: {  	_ =	shalt  }

</sc_bundles>
